<compile_context>
chip_gen: v7x
topology: tpu7x:2x2x1
jax: 0.10.2.dev20260603
libtpu: 0.0.44.dev20260713+nightly
codegen_flags: <defaults>
</compile_context>

<pallas_src>
import functools

import jax
import jax.numpy as jnp
from jax import lax
from jax.experimental import pallas as pl
from jax.experimental.pallas import tpu as pltpu
from jax.experimental.pallas import tpu_sc as plsc

N_NODES = 10000
N_EDGES = 320000
D = 128

NC = 2
NS = 16
NW = NC * NS
CHUNK = 128
CPT = 79
EPT = CPT * CHUNK
E_PAD = NW * EPT
N_PAD = 10240
RPT = N_PAD // NS

_sc_mesh = plsc.VectorSubcoreMesh(core_axis_name="c", subcore_axis_name="s")


def _sc_agg_body(table_h, src_h, dst_h, zeros_h, zeros1_h, out_h, deg_out_h,
                 acc_sh, deg_sh, sidx, didx, rows, ones1, dz, sem):
    cid = lax.axis_index("c")
    sid = lax.axis_index("s")
    w = sid * NC + cid
    r0 = sid * RPT
    pltpu.sync_copy(zeros_h.at[pl.ds(0, CHUNK)], rows)
    for k in range(RPT // CHUNK):
        pltpu.sync_copy(rows, acc_sh.at[pl.ds(r0 + k * CHUNK, CHUNK)])
    pltpu.sync_copy(zeros1_h.at[pl.ds(r0, RPT)], dz)
    pltpu.sync_copy(dz, deg_sh.at[pl.ds(r0, RPT)])
    for j in range(CHUNK // 16):
        ones1[pl.ds(j * 16, 16)] = jnp.full((16,), 1.0, jnp.float32)
    plsc.subcore_barrier()

    e0 = w * EPT

    def chunk_body(c, carry):
        base = e0 + c * CHUNK
        pltpu.sync_copy(src_h.at[pl.ds(base, CHUNK)], sidx)
        pltpu.sync_copy(dst_h.at[pl.ds(base, CHUNK)], didx)
        pltpu.async_copy(table_h.at[sidx], rows, sem).wait()
        pltpu.sync_copy(rows, acc_sh.at[didx], add=True)
        pltpu.sync_copy(ones1, deg_sh.at[didx], add=True)
        return carry

    lax.fori_loop(0, CPT, chunk_body, 0)
    plsc.subcore_barrier()
    for k in range(RPT // CHUNK):
        pltpu.sync_copy(acc_sh.at[pl.ds(r0 + k * CHUNK, CHUNK)], rows)
        pltpu.sync_copy(rows, out_h.at[cid, pl.ds(r0 + k * CHUNK, CHUNK)])
    pltpu.sync_copy(deg_sh.at[pl.ds(r0, RPT)], dz)
    pltpu.sync_copy(dz, deg_out_h.at[pl.ds(cid * N_PAD + r0, RPT)])


_sc_agg = pl.kernel(
    _sc_agg_body,
    mesh=_sc_mesh,
    out_type=[
        jax.ShapeDtypeStruct((NC, N_PAD, D), jnp.float32),
        jax.ShapeDtypeStruct((NC * N_PAD,), jnp.float32),
    ],
    scratch_types=[
        pltpu.VMEM_SHARED((N_PAD, D), jnp.float32),
        pltpu.VMEM_SHARED((N_PAD,), jnp.float32),
        pltpu.VMEM((CHUNK,), jnp.int32),
        pltpu.VMEM((CHUNK,), jnp.int32),
        pltpu.VMEM((CHUNK, D), jnp.float32),
        pltpu.VMEM((CHUNK,), jnp.float32),
        pltpu.VMEM((RPT,), jnp.float32),
        pltpu.SemaphoreType.DMA,
    ],
)


def _tc_layer_body(p_ref, deg_ref, x_ref, wl_ref, bl_ref, wr_ref, o_ref):
    s = p_ref[0] + p_ref[1]
    agg = s / jnp.maximum(deg_ref[...], 1.0)
    h = (jnp.dot(agg, wl_ref[...], preferred_element_type=jnp.float32)
         + bl_ref[...]
         + jnp.dot(x_ref[...], wr_ref[...], preferred_element_type=jnp.float32))
    o_ref[...] = jnp.maximum(h, 0.0)


_TC_BLK = 1000


def _tc_layer(p, deg2d, x, W_l, b_l, W_r):
    grid = N_NODES // _TC_BLK
    return pl.pallas_call(
        _tc_layer_body,
        grid=(grid,),
        in_specs=[
            pl.BlockSpec((NC, _TC_BLK, D), lambda i: (0, i, 0)),
            pl.BlockSpec((_TC_BLK, 1), lambda i: (i, 0)),
            pl.BlockSpec((_TC_BLK, D), lambda i: (i, 0)),
            pl.BlockSpec((D, D), lambda i: (0, 0)),
            pl.BlockSpec((1, D), lambda i: (0, 0)),
            pl.BlockSpec((D, D), lambda i: (0, 0)),
        ],
        out_specs=pl.BlockSpec((_TC_BLK, D), lambda i: (i, 0)),
        out_shape=jax.ShapeDtypeStruct((N_NODES, D), jnp.float32),
    )(p, deg2d, x, W_l, b_l.reshape(1, D), W_r)


@jax.jit
def kernel(x, edge_index, W_l1, b_l1, W_r1, W_l2, b_l2, W_r2):
    ei = edge_index.astype(jnp.int32)
    pad = E_PAD - N_EDGES
    src1 = jnp.concatenate([ei[0], jnp.zeros((pad,), jnp.int32)])
    dst1 = jnp.concatenate([ei[1], jnp.full((pad,), N_NODES, jnp.int32)])
    zeros_rows = jnp.zeros((N_PAD, D), jnp.float32)
    zeros1 = jnp.zeros((N_PAD,), jnp.float32)

    p1, dflat = _sc_agg(x, src1, dst1, zeros_rows, zeros1)
    d2 = dflat.reshape(NC, N_PAD)
    deg2d = (d2[0, :N_NODES] + d2[1, :N_NODES]).reshape(N_NODES, 1)
    h1 = _tc_layer(p1[:, :N_NODES], deg2d, x, W_l1, b_l1, W_r1)
    p2, _ = _sc_agg(h1, src1, dst1, zeros_rows, zeros1)
    h2 = _tc_layer(p2[:, :N_NODES], deg2d, h1, W_l2, b_l2, W_r2)
    return h2

# --- scband reference (transcript-rebuilt; emitter-appended) ---
"""Pipeline reference for scband-graph-sagemodel-2851858285179 (READ-ONLY COPY).

The authoritative reference and input builder live on the scoring server;
editing this copy changes nothing except your own understanding.
"""

import jax, jax.numpy as jnp
import numpy as np

N_NODES = 10000
N_EDGES = 320000
D_IN = 128
D_HID = 128


def setup_inputs(seed: int = 0) -> dict:
    key = jax.random.key(seed)
    k = jax.random.split(key, 9)
    x = jax.random.normal(k[0], (N_NODES, D_IN), dtype=jnp.float32)
    edge_index = jax.random.randint(k[1], (2, N_EDGES), 0, N_NODES, dtype=jnp.int64)
    s = 1.0 / np.sqrt(D_IN)
    W_l1 = jax.random.uniform(k[2], (D_IN, D_HID), minval=-s, maxval=s, dtype=jnp.float32)
    b_l1 = jax.random.uniform(k[3], (D_HID,), minval=-s, maxval=s, dtype=jnp.float32)
    W_r1 = jax.random.uniform(k[4], (D_IN, D_HID), minval=-s, maxval=s, dtype=jnp.float32)
    s2 = 1.0 / np.sqrt(D_HID)
    W_l2 = jax.random.uniform(k[5], (D_HID, D_HID), minval=-s2, maxval=s2, dtype=jnp.float32)
    b_l2 = jax.random.uniform(k[6], (D_HID,), minval=-s2, maxval=s2, dtype=jnp.float32)
    W_r2 = jax.random.uniform(k[7], (D_HID, D_HID), minval=-s2, maxval=s2, dtype=jnp.float32)
    return {"x": x, "edge_index": edge_index, "W_l1": W_l1, "b_l1": b_l1, "W_r1": W_r1,
            "W_l2": W_l2, "b_l2": b_l2, "W_r2": W_r2}


def _sage_conv(x, edge_index, W_l, b_l, W_r):
    # PyG SAGEConv with mean aggregation:
    # out = lin_l(mean_{j in N(i)} x_j) + lin_r(x_i)
    src = edge_index[0]
    dst = edge_index[1]
    msgs = jnp.take(x, src, axis=0)  # gather source features
    agg = jax.ops.segment_sum(msgs, dst, num_segments=x.shape[0])
    deg = jax.ops.segment_sum(jnp.ones((edge_index.shape[1],), dtype=x.dtype), dst,
                              num_segments=x.shape[0])
    agg = agg / jnp.clip(deg, 1.0)[:, None]
    return agg @ W_l + b_l + x @ W_r


def reference(x, edge_index, W_l1, b_l1, W_r1, W_l2, b_l2, W_r2):
    h = _sage_conv(x, edge_index, W_l1, b_l1, W_r1)
    h = jax.nn.relu(h)
    # dropout p=0.0 -> identity
    h = _sage_conv(h, edge_index, W_l2, b_l2, W_r2)
    h = jax.nn.relu(h)
    return h

if __name__ == "__main__":
    import jax
    _d = setup_inputs()
    print(jax.jit(kernel)(*tuple(_d.values())))

</pallas_src>

<mosaic_0001>
#map = affine_map<(d0, d1) -> (0, 0)>
#map1 = affine_map<(d0, d1) -> (0)>
#map2 = affine_map<(d0, d1) -> (0, 0, 0)>
module attributes {stable_mosaic.version = 14 : i64} {
  func.func @_sc_agg_body(%arg0: i32, %arg1: i32, %arg2: memref<10000x128xf32, #tpu.memory_space<hbm>>, %arg3: memref<323584xi32, #tpu.memory_space<hbm>>, %arg4: memref<323584xi32, #tpu.memory_space<hbm>>, %arg5: memref<10240x128xf32, #tpu.memory_space<hbm>>, %arg6: memref<10240xf32, #tpu.memory_space<hbm>>, %arg7: memref<2x10240x128xf32, #tpu.memory_space<hbm>>, %arg8: memref<20480xf32, #tpu.memory_space<hbm>>, %arg9: memref<10240x128xf32, #tpu.memory_space<vmem_shared>>, %arg10: memref<10240xf32, #tpu.memory_space<vmem_shared>>, %arg11: memref<128xi32, #tpu.memory_space<vmem>>, %arg12: memref<128xi32, #tpu.memory_space<vmem>>, %arg13: memref<128x128xf32, #tpu.memory_space<vmem>>, %arg14: memref<128xf32, #tpu.memory_space<vmem>>, %arg15: memref<640xf32, #tpu.memory_space<vmem>>, %arg16: memref<!tpu.dma_semaphore, #tpu.memory_space<semaphore_mem>>) attributes {dimension_semantics = [#tpu.dimension_semantics<core_parallel>, #tpu.dimension_semantics<subcore_parallel>], iteration_bounds = array<i64: 2, 16>, scalar_prefetch = 0 : i64, scratch_operands = 8 : i64, tpu.core_type = #tpu.core_type<sc_vector_subcore>, window_params = [{transform_indices = #map}, {transform_indices = #map1}, {transform_indices = #map1}, {transform_indices = #map}, {transform_indices = #map1}, {transform_indices = #map2}, {transform_indices = #map1}]} {
    %mul3A = arith.constant 2 : i32
    %mul3A_0 = arith.muli %arg1, %mul3A : i32
    %add3A = arith.addi %mul3A_0, %arg0 : i32
    %mul3A_1 = arith.constant 640 : i32
    %mul3A_2 = arith.muli %arg1, %mul3A_1 : i32
    "tpu.region"() ({
      %run_scoped3A = tpu.sem_alloc : memref<!tpu.dma_semaphore, #tpu.memory_space<semaphore_mem>>
      %dma_start3A = arith.constant 0 : i32
      %dma_start3A_90 = arith.constant 0 : i32
      %dma_start3A_91 = tpu.memref_slice %arg5[%dma_start3A, %dma_start3A_90] : memref<10240x128xf32, #tpu.memory_space<hbm>> -> memref<128x128xf32, #tpu.memory_space<hbm>>
      %dma_start3A_92 = arith.constant 0 : i32
      %dma_start3A_93 = arith.constant 0 : i32
      %dma_start3A_94 = tpu.memref_slice %arg5[%dma_start3A_92, %dma_start3A_93] : memref<10240x128xf32, #tpu.memory_space<hbm>> -> memref<128x128xf32, #tpu.memory_space<hbm>>
      tpu.enqueue_dma source(%dma_start3A_94 : memref<128x128xf32, #tpu.memory_space<hbm>>) target(%arg13 : memref<128x128xf32, #tpu.memory_space<vmem>>) target_semaphore(%run_scoped3A : memref<!tpu.dma_semaphore, #tpu.memory_space<semaphore_mem>>)
      %dma_wait3A = arith.constant 0 : i32
      %dma_wait3A_95 = arith.constant 0 : i32
      %dma_wait3A_96 = tpu.memref_slice %arg5[%dma_wait3A, %dma_wait3A_95] : memref<10240x128xf32, #tpu.memory_space<hbm>> -> memref<128x128xf32, #tpu.memory_space<hbm>>
      %dma_wait3A_97 = arith.constant 0 : i32
      %dma_wait3A_98 = arith.constant 0 : i32
      %dma_wait3A_99 = tpu.memref_slice %arg5[%dma_wait3A_97, %dma_wait3A_98] : memref<10240x128xf32, #tpu.memory_space<hbm>> -> memref<128x128xf32, #tpu.memory_space<hbm>>
      tpu.wait_dma2 semaphore(%run_scoped3A : memref<!tpu.dma_semaphore, #tpu.memory_space<semaphore_mem>>) src(%dma_wait3A_99 : memref<128x128xf32, #tpu.memory_space<hbm>>) dst(%arg13 : memref<128x128xf32, #tpu.memory_space<vmem>>)
      tpu.yield
    }) : () -> ()
    %add3A_3 = arith.constant 0 : i32
    %add3A_4 = arith.addi %mul3A_2, %add3A_3 : i32
    "tpu.region"() ({
      %run_scoped3A = tpu.sem_alloc : memref<!tpu.dma_semaphore, #tpu.memory_space<semaphore_mem>>
      %dma_start3A = arith.constant 0 : i32
      %dma_start3A_90 = tpu.memref_slice %arg9[%add3A_4, %dma_start3A] : memref<10240x128xf32, #tpu.memory_space<vmem_shared>> -> memref<128x128xf32, #tpu.memory_space<vmem_shared>>
      %dma_start3A_91 = arith.constant 0 : i32
      %dma_start3A_92 = tpu.memref_slice %arg9[%add3A_4, %dma_start3A_91] : memref<10240x128xf32, #tpu.memory_space<vmem_shared>> -> memref<128x128xf32, #tpu.memory_space<vmem_shared>>
      tpu.enqueue_dma source(%arg13 : memref<128x128xf32, #tpu.memory_space<vmem>>) target(%dma_start3A_92 : memref<128x128xf32, #tpu.memory_space<vmem_shared>>) target_semaphore(%run_scoped3A : memref<!tpu.dma_semaphore, #tpu.memory_space<semaphore_mem>>)
      %dma_wait3A = arith.constant 0 : i32
      %dma_wait3A_93 = tpu.memref_slice %arg9[%add3A_4, %dma_wait3A] : memref<10240x128xf32, #tpu.memory_space<vmem_shared>> -> memref<128x128xf32, #tpu.memory_space<vmem_shared>>
      %dma_wait3A_94 = arith.constant 0 : i32
      %dma_wait3A_95 = tpu.memref_slice %arg9[%add3A_4, %dma_wait3A_94] : memref<10240x128xf32, #tpu.memory_space<vmem_shared>> -> memref<128x128xf32, #tpu.memory_space<vmem_shared>>
      tpu.wait_dma2 semaphore(%run_scoped3A : memref<!tpu.dma_semaphore, #tpu.memory_space<semaphore_mem>>) src(%arg13 : memref<128x128xf32, #tpu.memory_space<vmem>>) dst(%dma_wait3A_95 : memref<128x128xf32, #tpu.memory_space<vmem_shared>>)
      tpu.yield
    }) : () -> ()
    %add3A_5 = arith.constant 128 : i32
    %add3A_6 = arith.addi %mul3A_2, %add3A_5 : i32
    "tpu.region"() ({
      %run_scoped3A = tpu.sem_alloc : memref<!tpu.dma_semaphore, #tpu.memory_space<semaphore_mem>>
      %dma_start3A = arith.constant 0 : i32
      %dma_start3A_90 = tpu.memref_slice %arg9[%add3A_6, %dma_start3A] : memref<10240x128xf32, #tpu.memory_space<vmem_shared>> -> memref<128x128xf32, #tpu.memory_space<vmem_shared>>
      %dma_start3A_91 = arith.constant 0 : i32
      %dma_start3A_92 = tpu.memref_slice %arg9[%add3A_6, %dma_start3A_91] : memref<10240x128xf32, #tpu.memory_space<vmem_shared>> -> memref<128x128xf32, #tpu.memory_space<vmem_shared>>
      tpu.enqueue_dma source(%arg13 : memref<128x128xf32, #tpu.memory_space<vmem>>) target(%dma_start3A_92 : memref<128x128xf32, #tpu.memory_space<vmem_shared>>) target_semaphore(%run_scoped3A : memref<!tpu.dma_semaphore, #tpu.memory_space<semaphore_mem>>)
      %dma_wait3A = arith.constant 0 : i32
      %dma_wait3A_93 = tpu.memref_slice %arg9[%add3A_6, %dma_wait3A] : memref<10240x128xf32, #tpu.memory_space<vmem_shared>> -> memref<128x128xf32, #tpu.memory_space<vmem_shared>>
      %dma_wait3A_94 = arith.constant 0 : i32
      %dma_wait3A_95 = tpu.memref_slice %arg9[%add3A_6, %dma_wait3A_94] : memref<10240x128xf32, #tpu.memory_space<vmem_shared>> -> memref<128x128xf32, #tpu.memory_space<vmem_shared>>
      tpu.wait_dma2 semaphore(%run_scoped3A : memref<!tpu.dma_semaphore, #tpu.memory_space<semaphore_mem>>) src(%arg13 : memref<128x128xf32, #tpu.memory_space<vmem>>) dst(%dma_wait3A_95 : memref<128x128xf32, #tpu.memory_space<vmem_shared>>)
      tpu.yield
    }) : () -> ()
    %add3A_7 = arith.constant 256 : i32
    %add3A_8 = arith.addi %mul3A_2, %add3A_7 : i32
    "tpu.region"() ({
      %run_scoped3A = tpu.sem_alloc : memref<!tpu.dma_semaphore, #tpu.memory_space<semaphore_mem>>
      %dma_start3A = arith.constant 0 : i32
      %dma_start3A_90 = tpu.memref_slice %arg9[%add3A_8, %dma_start3A] : memref<10240x128xf32, #tpu.memory_space<vmem_shared>> -> memref<128x128xf32, #tpu.memory_space<vmem_shared>>
      %dma_start3A_91 = arith.constant 0 : i32
      %dma_start3A_92 = tpu.memref_slice %arg9[%add3A_8, %dma_start3A_91] : memref<10240x128xf32, #tpu.memory_space<vmem_shared>> -> memref<128x128xf32, #tpu.memory_space<vmem_shared>>
      tpu.enqueue_dma source(%arg13 : memref<128x128xf32, #tpu.memory_space<vmem>>) target(%dma_start3A_92 : memref<128x128xf32, #tpu.memory_space<vmem_shared>>) target_semaphore(%run_scoped3A : memref<!tpu.dma_semaphore, #tpu.memory_space<semaphore_mem>>)
      %dma_wait3A = arith.constant 0 : i32
      %dma_wait3A_93 = tpu.memref_slice %arg9[%add3A_8, %dma_wait3A] : memref<10240x128xf32, #tpu.memory_space<vmem_shared>> -> memref<128x128xf32, #tpu.memory_space<vmem_shared>>
      %dma_wait3A_94 = arith.constant 0 : i32
      %dma_wait3A_95 = tpu.memref_slice %arg9[%add3A_8, %dma_wait3A_94] : memref<10240x128xf32, #tpu.memory_space<vmem_shared>> -> memref<128x128xf32, #tpu.memory_space<vmem_shared>>
      tpu.wait_dma2 semaphore(%run_scoped3A : memref<!tpu.dma_semaphore, #tpu.memory_space<semaphore_mem>>) src(%arg13 : memref<128x128xf32, #tpu.memory_space<vmem>>) dst(%dma_wait3A_95 : memref<128x128xf32, #tpu.memory_space<vmem_shared>>)
      tpu.yield
    }) : () -> ()
    %add3A_9 = arith.constant 384 : i32
    %add3A_10 = arith.addi %mul3A_2, %add3A_9 : i32
    "tpu.region"() ({
      %run_scoped3A = tpu.sem_alloc : memref<!tpu.dma_semaphore, #tpu.memory_space<semaphore_mem>>
      %dma_start3A = arith.constant 0 : i32
      %dma_start3A_90 = tpu.memref_slice %arg9[%add3A_10, %dma_start3A] : memref<10240x128xf32, #tpu.memory_space<vmem_shared>> -> memref<128x128xf32, #tpu.memory_space<vmem_shared>>
      %dma_start3A_91 = arith.constant 0 : i32
      %dma_start3A_92 = tpu.memref_slice %arg9[%add3A_10, %dma_start3A_91] : memref<10240x128xf32, #tpu.memory_space<vmem_shared>> -> memref<128x128xf32, #tpu.memory_space<vmem_shared>>
      tpu.enqueue_dma source(%arg13 : memref<128x128xf32, #tpu.memory_space<vmem>>) target(%dma_start3A_92 : memref<128x128xf32, #tpu.memory_space<vmem_shared>>) target_semaphore(%run_scoped3A : memref<!tpu.dma_semaphore, #tpu.memory_space<semaphore_mem>>)
      %dma_wait3A = arith.constant 0 : i32
      %dma_wait3A_93 = tpu.memref_slice %arg9[%add3A_10, %dma_wait3A] : memref<10240x128xf32, #tpu.memory_space<vmem_shared>> -> memref<128x128xf32, #tpu.memory_space<vmem_shared>>
      %dma_wait3A_94 = arith.constant 0 : i32
      %dma_wait3A_95 = tpu.memref_slice %arg9[%add3A_10, %dma_wait3A_94] : memref<10240x128xf32, #tpu.memory_space<vmem_shared>> -> memref<128x128xf32, #tpu.memory_space<vmem_shared>>
      tpu.wait_dma2 semaphore(%run_scoped3A : memref<!tpu.dma_semaphore, #tpu.memory_space<semaphore_mem>>) src(%arg13 : memref<128x128xf32, #tpu.memory_space<vmem>>) dst(%dma_wait3A_95 : memref<128x128xf32, #tpu.memory_space<vmem_shared>>)
      tpu.yield
    }) : () -> ()
    %add3A_11 = arith.constant 512 : i32
    %add3A_12 = arith.addi %mul3A_2, %add3A_11 : i32
    "tpu.region"() ({
      %run_scoped3A = tpu.sem_alloc : memref<!tpu.dma_semaphore, #tpu.memory_space<semaphore_mem>>
      %dma_start3A = arith.constant 0 : i32
      %dma_start3A_90 = tpu.memref_slice %arg9[%add3A_12, %dma_start3A] : memref<10240x128xf32, #tpu.memory_space<vmem_shared>> -> memref<128x128xf32, #tpu.memory_space<vmem_shared>>
      %dma_start3A_91 = arith.constant 0 : i32
      %dma_start3A_92 = tpu.memref_slice %arg9[%add3A_12, %dma_start3A_91] : memref<10240x128xf32, #tpu.memory_space<vmem_shared>> -> memref<128x128xf32, #tpu.memory_space<vmem_shared>>
      tpu.enqueue_dma source(%arg13 : memref<128x128xf32, #tpu.memory_space<vmem>>) target(%dma_start3A_92 : memref<128x128xf32, #tpu.memory_space<vmem_shared>>) target_semaphore(%run_scoped3A : memref<!tpu.dma_semaphore, #tpu.memory_space<semaphore_mem>>)
      %dma_wait3A = arith.constant 0 : i32
      %dma_wait3A_93 = tpu.memref_slice %arg9[%add3A_12, %dma_wait3A] : memref<10240x128xf32, #tpu.memory_space<vmem_shared>> -> memref<128x128xf32, #tpu.memory_space<vmem_shared>>
      %dma_wait3A_94 = arith.constant 0 : i32
      %dma_wait3A_95 = tpu.memref_slice %arg9[%add3A_12, %dma_wait3A_94] : memref<10240x128xf32, #tpu.memory_space<vmem_shared>> -> memref<128x128xf32, #tpu.memory_space<vmem_shared>>
      tpu.wait_dma2 semaphore(%run_scoped3A : memref<!tpu.dma_semaphore, #tpu.memory_space<semaphore_mem>>) src(%arg13 : memref<128x128xf32, #tpu.memory_space<vmem>>) dst(%dma_wait3A_95 : memref<128x128xf32, #tpu.memory_space<vmem_shared>>)
      tpu.yield
    }) : () -> ()
    "tpu.region"() ({
      %run_scoped3A = tpu.sem_alloc : memref<!tpu.dma_semaphore, #tpu.memory_space<semaphore_mem>>
      %dma_start3A = tpu.memref_slice %arg6[%mul3A_2] : memref<10240xf32, #tpu.memory_space<hbm>> -> memref<640xf32, #tpu.memory_space<hbm>>
      %dma_start3A_90 = tpu.memref_slice %arg6[%mul3A_2] : memref<10240xf32, #tpu.memory_space<hbm>> -> memref<640xf32, #tpu.memory_space<hbm>>
      tpu.enqueue_dma source(%dma_start3A_90 : memref<640xf32, #tpu.memory_space<hbm>>) target(%arg15 : memref<640xf32, #tpu.memory_space<vmem>>) target_semaphore(%run_scoped3A : memref<!tpu.dma_semaphore, #tpu.memory_space<semaphore_mem>>)
      %dma_wait3A = tpu.memref_slice %arg6[%mul3A_2] : memref<10240xf32, #tpu.memory_space<hbm>> -> memref<640xf32, #tpu.memory_space<hbm>>
      %dma_wait3A_91 = tpu.memref_slice %arg6[%mul3A_2] : memref<10240xf32, #tpu.memory_space<hbm>> -> memref<640xf32, #tpu.memory_space<hbm>>
      tpu.wait_dma2 semaphore(%run_scoped3A : memref<!tpu.dma_semaphore, #tpu.memory_space<semaphore_mem>>) src(%dma_wait3A_91 : memref<640xf32, #tpu.memory_space<hbm>>) dst(%arg15 : memref<640xf32, #tpu.memory_space<vmem>>)
      tpu.yield
    }) : () -> ()
    "tpu.region"() ({
      %run_scoped3A = tpu.sem_alloc : memref<!tpu.dma_semaphore, #tpu.memory_space<semaphore_mem>>
      %dma_start3A = tpu.memref_slice %arg10[%mul3A_2] : memref<10240xf32, #tpu.memory_space<vmem_shared>> -> memref<640xf32, #tpu.memory_space<vmem_shared>>
      %dma_start3A_90 = tpu.memref_slice %arg10[%mul3A_2] : memref<10240xf32, #tpu.memory_space<vmem_shared>> -> memref<640xf32, #tpu.memory_space<vmem_shared>>
      tpu.enqueue_dma source(%arg15 : memref<640xf32, #tpu.memory_space<vmem>>) target(%dma_start3A_90 : memref<640xf32, #tpu.memory_space<vmem_shared>>) target_semaphore(%run_scoped3A : memref<!tpu.dma_semaphore, #tpu.memory_space<semaphore_mem>>)
      %dma_wait3A = tpu.memref_slice %arg10[%mul3A_2] : memref<10240xf32, #tpu.memory_space<vmem_shared>> -> memref<640xf32, #tpu.memory_space<vmem_shared>>
      %dma_wait3A_91 = tpu.memref_slice %arg10[%mul3A_2] : memref<10240xf32, #tpu.memory_space<vmem_shared>> -> memref<640xf32, #tpu.memory_space<vmem_shared>>
      tpu.wait_dma2 semaphore(%run_scoped3A : memref<!tpu.dma_semaphore, #tpu.memory_space<semaphore_mem>>) src(%arg15 : memref<640xf32, #tpu.memory_space<vmem>>) dst(%dma_wait3A_91 : memref<640xf32, #tpu.memory_space<vmem_shared>>)
      tpu.yield
    }) : () -> ()
    %broadcast_in_dim3A = arith.constant 1.000000e+00 : f32
    %broadcast_in_dim3A_13 = vector.broadcast %broadcast_in_dim3A : f32 to vector<16xf32>
    %swap3A = arith.constant 0 : index
    %swap3A_14 = tpu.vector_load %arg14[%swap3A] {strides = array<i32>} : memref<128xf32, #tpu.memory_space<vmem>>, vector<16xf32>,
    %swap3A_15 = vector.shape_cast %swap3A_14 : vector<16xf32> to vector<16xf32>
    %swap3A_16 = vector.shape_cast %broadcast_in_dim3A_13 : vector<16xf32> to vector<16xf32>
    tpu.vector_store %arg14[%swap3A], %swap3A_16 {strides = array<i32>} : memref<128xf32, #tpu.memory_space<vmem>>, vector<16xf32>,
    %broadcast_in_dim3A_17 = arith.constant 1.000000e+00 : f32
    %broadcast_in_dim3A_18 = vector.broadcast %broadcast_in_dim3A_17 : f32 to vector<16xf32>
    %swap3A_19 = arith.constant 16 : index
    %swap3A_20 = tpu.vector_load %arg14[%swap3A_19] {strides = array<i32>} : memref<128xf32, #tpu.memory_space<vmem>>, vector<16xf32>,
    %swap3A_21 = vector.shape_cast %swap3A_20 : vector<16xf32> to vector<16xf32>
    %swap3A_22 = vector.shape_cast %broadcast_in_dim3A_18 : vector<16xf32> to vector<16xf32>
    tpu.vector_store %arg14[%swap3A_19], %swap3A_22 {strides = array<i32>} : memref<128xf32, #tpu.memory_space<vmem>>, vector<16xf32>,
    %broadcast_in_dim3A_23 = arith.constant 1.000000e+00 : f32
    %broadcast_in_dim3A_24 = vector.broadcast %broadcast_in_dim3A_23 : f32 to vector<16xf32>
    %swap3A_25 = arith.constant 32 : index
    %swap3A_26 = tpu.vector_load %arg14[%swap3A_25] {strides = array<i32>} : memref<128xf32, #tpu.memory_space<vmem>>, vector<16xf32>,
    %swap3A_27 = vector.shape_cast %swap3A_26 : vector<16xf32> to vector<16xf32>
    %swap3A_28 = vector.shape_cast %broadcast_in_dim3A_24 : vector<16xf32> to vector<16xf32>
    tpu.vector_store %arg14[%swap3A_25], %swap3A_28 {strides = array<i32>} : memref<128xf32, #tpu.memory_space<vmem>>, vector<16xf32>,
    %broadcast_in_dim3A_29 = arith.constant 1.000000e+00 : f32
    %broadcast_in_dim3A_30 = vector.broadcast %broadcast_in_dim3A_29 : f32 to vector<16xf32>
    %swap3A_31 = arith.constant 48 : index
    %swap3A_32 = tpu.vector_load %arg14[%swap3A_31] {strides = array<i32>} : memref<128xf32, #tpu.memory_space<vmem>>, vector<16xf32>,
    %swap3A_33 = vector.shape_cast %swap3A_32 : vector<16xf32> to vector<16xf32>
    %swap3A_34 = vector.shape_cast %broadcast_in_dim3A_30 : vector<16xf32> to vector<16xf32>
    tpu.vector_store %arg14[%swap3A_31], %swap3A_34 {strides = array<i32>} : memref<128xf32, #tpu.memory_space<vmem>>, vector<16xf32>,
    %broadcast_in_dim3A_35 = arith.constant 1.000000e+00 : f32
    %broadcast_in_dim3A_36 = vector.broadcast %broadcast_in_dim3A_35 : f32 to vector<16xf32>
    %swap3A_37 = arith.constant 64 : index
    %swap3A_38 = tpu.vector_load %arg14[%swap3A_37] {strides = array<i32>} : memref<128xf32, #tpu.memory_space<vmem>>, vector<16xf32>,
    %swap3A_39 = vector.shape_cast %swap3A_38 : vector<16xf32> to vector<16xf32>
    %swap3A_40 = vector.shape_cast %broadcast_in_dim3A_36 : vector<16xf32> to vector<16xf32>
    tpu.vector_store %arg14[%swap3A_37], %swap3A_40 {strides = array<i32>} : memref<128xf32, #tpu.memory_space<vmem>>, vector<16xf32>,
    %broadcast_in_dim3A_41 = arith.constant 1.000000e+00 : f32
    %broadcast_in_dim3A_42 = vector.broadcast %broadcast_in_dim3A_41 : f32 to vector<16xf32>
    %swap3A_43 = arith.constant 80 : index
    %swap3A_44 = tpu.vector_load %arg14[%swap3A_43] {strides = array<i32>} : memref<128xf32, #tpu.memory_space<vmem>>, vector<16xf32>,
    %swap3A_45 = vector.shape_cast %swap3A_44 : vector<16xf32> to vector<16xf32>
    %swap3A_46 = vector.shape_cast %broadcast_in_dim3A_42 : vector<16xf32> to vector<16xf32>
    tpu.vector_store %arg14[%swap3A_43], %swap3A_46 {strides = array<i32>} : memref<128xf32, #tpu.memory_space<vmem>>, vector<16xf32>,
    %broadcast_in_dim3A_47 = arith.constant 1.000000e+00 : f32
    %broadcast_in_dim3A_48 = vector.broadcast %broadcast_in_dim3A_47 : f32 to vector<16xf32>
    %swap3A_49 = arith.constant 96 : index
    %swap3A_50 = tpu.vector_load %arg14[%swap3A_49] {strides = array<i32>} : memref<128xf32, #tpu.memory_space<vmem>>, vector<16xf32>,
    %swap3A_51 = vector.shape_cast %swap3A_50 : vector<16xf32> to vector<16xf32>
    %swap3A_52 = vector.shape_cast %broadcast_in_dim3A_48 : vector<16xf32> to vector<16xf32>
    tpu.vector_store %arg14[%swap3A_49], %swap3A_52 {strides = array<i32>} : memref<128xf32, #tpu.memory_space<vmem>>, vector<16xf32>,
    %broadcast_in_dim3A_53 = arith.constant 1.000000e+00 : f32
    %broadcast_in_dim3A_54 = vector.broadcast %broadcast_in_dim3A_53 : f32 to vector<16xf32>
    %swap3A_55 = arith.constant 112 : index
    %swap3A_56 = tpu.vector_load %arg14[%swap3A_55] {strides = array<i32>} : memref<128xf32, #tpu.memory_space<vmem>>, vector<16xf32>,
    %swap3A_57 = vector.shape_cast %swap3A_56 : vector<16xf32> to vector<16xf32>
    %swap3A_58 = vector.shape_cast %broadcast_in_dim3A_54 : vector<16xf32> to vector<16xf32>
    tpu.vector_store %arg14[%swap3A_55], %swap3A_58 {strides = array<i32>} : memref<128xf32, #tpu.memory_space<vmem>>, vector<16xf32>,
    %barrier3A = arith.constant 0 : index
    tpu.barrier barrier_id(%barrier3A)
    %mul3A_59 = arith.constant 10112 : i32
    %mul3A_60 = arith.muli %add3A, %mul3A_59 : i32
    %scan3A = arith.constant 0 : i32
    %scan3A_61 = arith.constant 0 : i32
    %scan3A_62 = arith.constant 79 : i32
    %scan3A_63 = arith.addi %scan3A_61, %scan3A_62 : i32
    %scan3A_64 = arith.constant 1 : i32
    scf.for %scan3A_90 = %scan3A_61 to %scan3A_63 step %scan3A_64  : i32 {
      %mul3A_91 = arith.constant 128 : i32
      %mul3A_92 = arith.muli %scan3A_90, %mul3A_91 : i32
      %add3A_93 = arith.addi %mul3A_60, %mul3A_92 : i32
      "tpu.region"() ({
        %run_scoped3A = tpu.sem_alloc : memref<!tpu.dma_semaphore, #tpu.memory_space<semaphore_mem>>
        %dma_start3A_98 = tpu.memref_slice %arg3[%add3A_93] : memref<323584xi32, #tpu.memory_space<hbm>> -> memref<128xi32, #tpu.memory_space<hbm>>
        %dma_start3A_99 = tpu.memref_slice %arg3[%add3A_93] : memref<323584xi32, #tpu.memory_space<hbm>> -> memref<128xi32, #tpu.memory_space<hbm>>
        tpu.enqueue_dma source(%dma_start3A_99 : memref<128xi32, #tpu.memory_space<hbm>>) target(%arg11 : memref<128xi32, #tpu.memory_space<vmem>>) target_semaphore(%run_scoped3A : memref<!tpu.dma_semaphore, #tpu.memory_space<semaphore_mem>>)
        %dma_wait3A_100 = tpu.memref_slice %arg3[%add3A_93] : memref<323584xi32, #tpu.memory_space<hbm>> -> memref<128xi32, #tpu.memory_space<hbm>>
        %dma_wait3A_101 = tpu.memref_slice %arg3[%add3A_93] : memref<323584xi32, #tpu.memory_space<hbm>> -> memref<128xi32, #tpu.memory_space<hbm>>
        tpu.wait_dma2 semaphore(%run_scoped3A : memref<!tpu.dma_semaphore, #tpu.memory_space<semaphore_mem>>) src(%dma_wait3A_101 : memref<128xi32, #tpu.memory_space<hbm>>) dst(%arg11 : memref<128xi32, #tpu.memory_space<vmem>>)
        tpu.yield
      }) : () -> ()
      "tpu.region"() ({
        %run_scoped3A = tpu.sem_alloc : memref<!tpu.dma_semaphore, #tpu.memory_space<semaphore_mem>>
        %dma_start3A_98 = tpu.memref_slice %arg4[%add3A_93] : memref<323584xi32, #tpu.memory_space<hbm>> -> memref<128xi32, #tpu.memory_space<hbm>>
        %dma_start3A_99 = tpu.memref_slice %arg4[%add3A_93] : memref<323584xi32, #tpu.memory_space<hbm>> -> memref<128xi32, #tpu.memory_space<hbm>>
        tpu.enqueue_dma source(%dma_start3A_99 : memref<128xi32, #tpu.memory_space<hbm>>) target(%arg12 : memref<128xi32, #tpu.memory_space<vmem>>) target_semaphore(%run_scoped3A : memref<!tpu.dma_semaphore, #tpu.memory_space<semaphore_mem>>)
        %dma_wait3A_100 = tpu.memref_slice %arg4[%add3A_93] : memref<323584xi32, #tpu.memory_space<hbm>> -> memref<128xi32, #tpu.memory_space<hbm>>
        %dma_wait3A_101 = tpu.memref_slice %arg4[%add3A_93] : memref<323584xi32, #tpu.memory_space<hbm>> -> memref<128xi32, #tpu.memory_space<hbm>>
        tpu.wait_dma2 semaphore(%run_scoped3A : memref<!tpu.dma_semaphore, #tpu.memory_space<semaphore_mem>>) src(%dma_wait3A_101 : memref<128xi32, #tpu.memory_space<hbm>>) dst(%arg12 : memref<128xi32, #tpu.memory_space<vmem>>)
        tpu.yield
      }) : () -> ()
      %dma_start3A = arith.constant 0 : i32
      %dma_start3A_94 = arith.constant 0 : i32
      %dma_start3A_95 = tpu.memref_slice %arg2[%dma_start3A, %dma_start3A_94] : memref<10000x128xf32, #tpu.memory_space<hbm>> -> memref<10000x128xf32, #tpu.memory_space<hbm>>
      tpu.enqueue_indirect_dma source(%dma_start3A_95 : memref<10000x128xf32, #tpu.memory_space<hbm>>) target(%arg13 : memref<128x128xf32, #tpu.memory_space<vmem>>) offsets(%arg11 : memref<128xi32, #tpu.memory_space<vmem>>) semaphore(%arg16 : memref<!tpu.dma_semaphore, #tpu.memory_space<semaphore_mem>>)
      %dma_wait3A = arith.constant 0 : i32
      %dma_wait3A_96 = arith.constant 0 : i32
      %dma_wait3A_97 = tpu.memref_slice %arg2[%dma_wait3A, %dma_wait3A_96] : memref<10000x128xf32, #tpu.memory_space<hbm>> -> memref<10000x128xf32, #tpu.memory_space<hbm>>
      tpu.wait_indirect_dma semaphore(%arg16 : memref<!tpu.dma_semaphore, #tpu.memory_space<semaphore_mem>>) src(%dma_wait3A_97 : memref<10000x128xf32, #tpu.memory_space<hbm>>) dst(%arg13 : memref<128x128xf32, #tpu.memory_space<vmem>>)
      "tpu.region"() ({
        %run_scoped3A = tpu.sem_alloc : memref<!tpu.dma_semaphore, #tpu.memory_space<semaphore_mem>>
        %dma_start3A_98 = arith.constant 0 : i32
        %dma_start3A_99 = arith.constant 0 : i32
        %dma_start3A_100 = tpu.memref_slice %arg9[%dma_start3A_98, %dma_start3A_99] : memref<10240x128xf32, #tpu.memory_space<vmem_shared>> -> memref<10240x128xf32, #tpu.memory_space<vmem_shared>>
        tpu.enqueue_indirect_dma source(%arg13 : memref<128x128xf32, #tpu.memory_space<vmem>>) target(%dma_start3A_100 : memref<10240x128xf32, #tpu.memory_space<vmem_shared>>) offsets(%arg12 : memref<128xi32, #tpu.memory_space<vmem>>) semaphore(%run_scoped3A : memref<!tpu.dma_semaphore, #tpu.memory_space<semaphore_mem>>) {add = true}
        %dma_wait3A_101 = arith.constant 0 : i32
        %dma_wait3A_102 = arith.constant 0 : i32
        %dma_wait3A_103 = tpu.memref_slice %arg9[%dma_wait3A_101, %dma_wait3A_102] : memref<10240x128xf32, #tpu.memory_space<vmem_shared>> -> memref<10240x128xf32, #tpu.memory_space<vmem_shared>>
        tpu.wait_indirect_dma semaphore(%run_scoped3A : memref<!tpu.dma_semaphore, #tpu.memory_space<semaphore_mem>>) src(%arg13 : memref<128x128xf32, #tpu.memory_space<vmem>>) dst(%dma_wait3A_103 : memref<10240x128xf32, #tpu.memory_space<vmem_shared>>)
        tpu.yield
      }) : () -> ()
      "tpu.region"() ({
        %run_scoped3A = tpu.sem_alloc : memref<!tpu.dma_semaphore, #tpu.memory_space<semaphore_mem>>
        %dma_start3A_98 = arith.constant 0 : i32
        %dma_start3A_99 = tpu.memref_slice %arg10[%dma_start3A_98] : memref<10240xf32, #tpu.memory_space<vmem_shared>> -> memref<10240xf32, #tpu.memory_space<vmem_shared>>
        tpu.enqueue_indirect_dma source(%arg14 : memref<128xf32, #tpu.memory_space<vmem>>) target(%dma_start3A_99 : memref<10240xf32, #tpu.memory_space<vmem_shared>>) offsets(%arg12 : memref<128xi32, #tpu.memory_space<vmem>>) semaphore(%run_scoped3A : memref<!tpu.dma_semaphore, #tpu.memory_space<semaphore_mem>>) {add = true}
        %dma_wait3A_100 = arith.constant 0 : i32
        %dma_wait3A_101 = tpu.memref_slice %arg10[%dma_wait3A_100] : memref<10240xf32, #tpu.memory_space<vmem_shared>> -> memref<10240xf32, #tpu.memory_space<vmem_shared>>
        tpu.wait_indirect_dma semaphore(%run_scoped3A : memref<!tpu.dma_semaphore, #tpu.memory_space<semaphore_mem>>) src(%arg14 : memref<128xf32, #tpu.memory_space<vmem>>) dst(%dma_wait3A_101 : memref<10240xf32, #tpu.memory_space<vmem_shared>>)
        tpu.yield
      }) : () -> ()
    }
    %scan3A_65 = arith.constant 79 : i32
    %barrier3A_66 = arith.constant 0 : index
    tpu.barrier barrier_id(%barrier3A_66)
    %add3A_67 = arith.constant 0 : i32
    %add3A_68 = arith.addi %mul3A_2, %add3A_67 : i32
    "tpu.region"() ({
      %run_scoped3A = tpu.sem_alloc : memref<!tpu.dma_semaphore, #tpu.memory_space<semaphore_mem>>
      %dma_start3A = arith.constant 0 : i32
      %dma_start3A_90 = tpu.memref_slice %arg9[%add3A_68, %dma_start3A] : memref<10240x128xf32, #tpu.memory_space<vmem_shared>> -> memref<128x128xf32, #tpu.memory_space<vmem_shared>>
      %dma_start3A_91 = arith.constant 0 : i32
      %dma_start3A_92 = tpu.memref_slice %arg9[%add3A_68, %dma_start3A_91] : memref<10240x128xf32, #tpu.memory_space<vmem_shared>> -> memref<128x128xf32, #tpu.memory_space<vmem_shared>>
      tpu.enqueue_dma source(%dma_start3A_92 : memref<128x128xf32, #tpu.memory_space<vmem_shared>>) target(%arg13 : memref<128x128xf32, #tpu.memory_space<vmem>>) target_semaphore(%run_scoped3A : memref<!tpu.dma_semaphore, #tpu.memory_space<semaphore_mem>>)
      %dma_wait3A = arith.constant 0 : i32
      %dma_wait3A_93 = tpu.memref_slice %arg9[%add3A_68, %dma_wait3A] : memref<10240x128xf32, #tpu.memory_space<vmem_shared>> -> memref<128x128xf32, #tpu.memory_space<vmem_shared>>
      %dma_wait3A_94 = arith.constant 0 : i32
      %dma_wait3A_95 = tpu.memref_slice %arg9[%add3A_68, %dma_wait3A_94] : memref<10240x128xf32, #tpu.memory_space<vmem_shared>> -> memref<128x128xf32, #tpu.memory_space<vmem_shared>>
      tpu.wait_dma2 semaphore(%run_scoped3A : memref<!tpu.dma_semaphore, #tpu.memory_space<semaphore_mem>>) src(%dma_wait3A_95 : memref<128x128xf32, #tpu.memory_space<vmem_shared>>) dst(%arg13 : memref<128x128xf32, #tpu.memory_space<vmem>>)
      tpu.yield
    }) : () -> ()
    %add3A_69 = arith.constant 0 : i32
    %add3A_70 = arith.addi %mul3A_2, %add3A_69 : i32
    "tpu.region"() ({
      %run_scoped3A = tpu.sem_alloc : memref<!tpu.dma_semaphore, #tpu.memory_space<semaphore_mem>>
      %dma_start3A = arith.constant 0 : i32
      %dma_start3A_90 = tpu.memref_slice %arg7[%arg0, %add3A_70, %dma_start3A] : memref<2x10240x128xf32, #tpu.memory_space<hbm>> -> memref<1x128x128xf32, #tpu.memory_space<hbm>>
      %dma_start3A_91 = tpu.memref_squeeze %dma_start3A_90 : memref<1x128x128xf32, #tpu.memory_space<hbm>> -> memref<128x128xf32, #tpu.memory_space<hbm>>
      %dma_start3A_92 = arith.constant 0 : i32
      %dma_start3A_93 = tpu.memref_slice %arg7[%arg0, %add3A_70, %dma_start3A_92] : memref<2x10240x128xf32, #tpu.memory_space<hbm>> -> memref<1x128x128xf32, #tpu.memory_space<hbm>>
      %dma_start3A_94 = tpu.memref_squeeze %dma_start3A_93 : memref<1x128x128xf32, #tpu.memory_space<hbm>> -> memref<128x128xf32, #tpu.memory_space<hbm>>
      tpu.enqueue_dma source(%arg13 : memref<128x128xf32, #tpu.memory_space<vmem>>) target(%dma_start3A_94 : memref<128x128xf32, #tpu.memory_space<hbm>>) target_semaphore(%run_scoped3A : memref<!tpu.dma_semaphore, #tpu.memory_space<semaphore_mem>>)
      %dma_wait3A = arith.constant 0 : i32
      %dma_wait3A_95 = tpu.memref_slice %arg7[%arg0, %add3A_70, %dma_wait3A] : memref<2x10240x128xf32, #tpu.memory_space<hbm>> -> memref<1x128x128xf32, #tpu.memory_space<hbm>>
      %dma_wait3A_96 = tpu.memref_squeeze %dma_wait3A_95 : memref<1x128x128xf32, #tpu.memory_space<hbm>> -> memref<128x128xf32, #tpu.memory_space<hbm>>
      %dma_wait3A_97 = arith.constant 0 : i32
      %dma_wait3A_98 = tpu.memref_slice %arg7[%arg0, %add3A_70, %dma_wait3A_97] : memref<2x10240x128xf32, #tpu.memory_space<hbm>> -> memref<1x128x128xf32, #tpu.memory_space<hbm>>
      %dma_wait3A_99 = tpu.memref_squeeze %dma_wait3A_98 : memref<1x128x128xf32, #tpu.memory_space<hbm>> -> memref<128x128xf32, #tpu.memory_space<hbm>>
      tpu.wait_dma2 semaphore(%run_scoped3A : memref<!tpu.dma_semaphore, #tpu.memory_space<semaphore_mem>>) src(%arg13 : memref<128x128xf32, #tpu.memory_space<vmem>>) dst(%dma_wait3A_99 : memref<128x128xf32, #tpu.memory_space<hbm>>)
      tpu.yield
    }) : () -> ()
    %add3A_71 = arith.constant 128 : i32
    %add3A_72 = arith.addi %mul3A_2, %add3A_71 : i32
    "tpu.region"() ({
      %run_scoped3A = tpu.sem_alloc : memref<!tpu.dma_semaphore, #tpu.memory_space<semaphore_mem>>
      %dma_start3A = arith.constant 0 : i32
      %dma_start3A_90 = tpu.memref_slice %arg9[%add3A_72, %dma_start3A] : memref<10240x128xf32, #tpu.memory_space<vmem_shared>> -> memref<128x128xf32, #tpu.memory_space<vmem_shared>>
      %dma_start3A_91 = arith.constant 0 : i32
      %dma_start3A_92 = tpu.memref_slice %arg9[%add3A_72, %dma_start3A_91] : memref<10240x128xf32, #tpu.memory_space<vmem_shared>> -> memref<128x128xf32, #tpu.memory_space<vmem_shared>>
      tpu.enqueue_dma source(%dma_start3A_92 : memref<128x128xf32, #tpu.memory_space<vmem_shared>>) target(%arg13 : memref<128x128xf32, #tpu.memory_space<vmem>>) target_semaphore(%run_scoped3A : memref<!tpu.dma_semaphore, #tpu.memory_space<semaphore_mem>>)
      %dma_wait3A = arith.constant 0 : i32
      %dma_wait3A_93 = tpu.memref_slice %arg9[%add3A_72, %dma_wait3A] : memref<10240x128xf32, #tpu.memory_space<vmem_shared>> -> memref<128x128xf32, #tpu.memory_space<vmem_shared>>
      %dma_wait3A_94 = arith.constant 0 : i32
      %dma_wait3A_95 = tpu.memref_slice %arg9[%add3A_72, %dma_wait3A_94] : memref<10240x128xf32, #tpu.memory_space<vmem_shared>> -> memref<128x128xf32, #tpu.memory_space<vmem_shared>>
      tpu.wait_dma2 semaphore(%run_scoped3A : memref<!tpu.dma_semaphore, #tpu.memory_space<semaphore_mem>>) src(%dma_wait3A_95 : memref<128x128xf32, #tpu.memory_space<vmem_shared>>) dst(%arg13 : memref<128x128xf32, #tpu.memory_space<vmem>>)
      tpu.yield
    }) : () -> ()
    %add3A_73 = arith.constant 128 : i32
    %add3A_74 = arith.addi %mul3A_2, %add3A_73 : i32
    "tpu.region"() ({
      %run_scoped3A = tpu.sem_alloc : memref<!tpu.dma_semaphore, #tpu.memory_space<semaphore_mem>>
      %dma_start3A = arith.constant 0 : i32
      %dma_start3A_90 = tpu.memref_slice %arg7[%arg0, %add3A_74, %dma_start3A] : memref<2x10240x128xf32, #tpu.memory_space<hbm>> -> memref<1x128x128xf32, #tpu.memory_space<hbm>>
      %dma_start3A_91 = tpu.memref_squeeze %dma_start3A_90 : memref<1x128x128xf32, #tpu.memory_space<hbm>> -> memref<128x128xf32, #tpu.memory_space<hbm>>
      %dma_start3A_92 = arith.constant 0 : i32
      %dma_start3A_93 = tpu.memref_slice %arg7[%arg0, %add3A_74, %dma_start3A_92] : memref<2x10240x128xf32, #tpu.memory_space<hbm>> -> memref<1x128x128xf32, #tpu.memory_space<hbm>>
      %dma_start3A_94 = tpu.memref_squeeze %dma_start3A_93 : memref<1x128x128xf32, #tpu.memory_space<hbm>> -> memref<128x128xf32, #tpu.memory_space<hbm>>
      tpu.enqueue_dma source(%arg13 : memref<128x128xf32, #tpu.memory_space<vmem>>) target(%dma_start3A_94 : memref<128x128xf32, #tpu.memory_space<hbm>>) target_semaphore(%run_scoped3A : memref<!tpu.dma_semaphore, #tpu.memory_space<semaphore_mem>>)
      %dma_wait3A = arith.constant 0 : i32
      %dma_wait3A_95 = tpu.memref_slice %arg7[%arg0, %add3A_74, %dma_wait3A] : memref<2x10240x128xf32, #tpu.memory_space<hbm>> -> memref<1x128x128xf32, #tpu.memory_space<hbm>>
      %dma_wait3A_96 = tpu.memref_squeeze %dma_wait3A_95 : memref<1x128x128xf32, #tpu.memory_space<hbm>> -> memref<128x128xf32, #tpu.memory_space<hbm>>
      %dma_wait3A_97 = arith.constant 0 : i32
      %dma_wait3A_98 = tpu.memref_slice %arg7[%arg0, %add3A_74, %dma_wait3A_97] : memref<2x10240x128xf32, #tpu.memory_space<hbm>> -> memref<1x128x128xf32, #tpu.memory_space<hbm>>
      %dma_wait3A_99 = tpu.memref_squeeze %dma_wait3A_98 : memref<1x128x128xf32, #tpu.memory_space<hbm>> -> memref<128x128xf32, #tpu.memory_space<hbm>>
      tpu.wait_dma2 semaphore(%run_scoped3A : memref<!tpu.dma_semaphore, #tpu.memory_space<semaphore_mem>>) src(%arg13 : memref<128x128xf32, #tpu.memory_space<vmem>>) dst(%dma_wait3A_99 : memref<128x128xf32, #tpu.memory_space<hbm>>)
      tpu.yield
    }) : () -> ()
    %add3A_75 = arith.constant 256 : i32
    %add3A_76 = arith.addi %mul3A_2, %add3A_75 : i32
    "tpu.region"() ({
      %run_scoped3A = tpu.sem_alloc : memref<!tpu.dma_semaphore, #tpu.memory_space<semaphore_mem>>
      %dma_start3A = arith.constant 0 : i32
      %dma_start3A_90 = tpu.memref_slice %arg9[%add3A_76, %dma_start3A] : memref<10240x128xf32, #tpu.memory_space<vmem_shared>> -> memref<128x128xf32, #tpu.memory_space<vmem_shared>>
      %dma_start3A_91 = arith.constant 0 : i32
      %dma_start3A_92 = tpu.memref_slice %arg9[%add3A_76, %dma_start3A_91] : memref<10240x128xf32, #tpu.memory_space<vmem_shared>> -> memref<128x128xf32, #tpu.memory_space<vmem_shared>>
      tpu.enqueue_dma source(%dma_start3A_92 : memref<128x128xf32, #tpu.memory_space<vmem_shared>>) target(%arg13 : memref<128x128xf32, #tpu.memory_space<vmem>>) target_semaphore(%run_scoped3A : memref<!tpu.dma_semaphore, #tpu.memory_space<semaphore_mem>>)
      %dma_wait3A = arith.constant 0 : i32
      %dma_wait3A_93 = tpu.memref_slice %arg9[%add3A_76, %dma_wait3A] : memref<10240x128xf32, #tpu.memory_space<vmem_shared>> -> memref<128x128xf32, #tpu.memory_space<vmem_shared>>
      %dma_wait3A_94 = arith.constant 0 : i32
      %dma_wait3A_95 = tpu.memref_slice %arg9[%add3A_76, %dma_wait3A_94] : memref<10240x128xf32, #tpu.memory_space<vmem_shared>> -> memref<128x128xf32, #tpu.memory_space<vmem_shared>>
      tpu.wait_dma2 semaphore(%run_scoped3A : memref<!tpu.dma_semaphore, #tpu.memory_space<semaphore_mem>>) src(%dma_wait3A_95 : memref<128x128xf32, #tpu.memory_space<vmem_shared>>) dst(%arg13 : memref<128x128xf32, #tpu.memory_space<vmem>>)
      tpu.yield
    }) : () -> ()
    %add3A_77 = arith.constant 256 : i32
    %add3A_78 = arith.addi %mul3A_2, %add3A_77 : i32
    "tpu.region"() ({
      %run_scoped3A = tpu.sem_alloc : memref<!tpu.dma_semaphore, #tpu.memory_space<semaphore_mem>>
      %dma_start3A = arith.constant 0 : i32
      %dma_start3A_90 = tpu.memref_slice %arg7[%arg0, %add3A_78, %dma_start3A] : memref<2x10240x128xf32, #tpu.memory_space<hbm>> -> memref<1x128x128xf32, #tpu.memory_space<hbm>>
      %dma_start3A_91 = tpu.memref_squeeze %dma_start3A_90 : memref<1x128x128xf32, #tpu.memory_space<hbm>> -> memref<128x128xf32, #tpu.memory_space<hbm>>
      %dma_start3A_92 = arith.constant 0 : i32
      %dma_start3A_93 = tpu.memref_slice %arg7[%arg0, %add3A_78, %dma_start3A_92] : memref<2x10240x128xf32, #tpu.memory_space<hbm>> -> memref<1x128x128xf32, #tpu.memory_space<hbm>>
      %dma_start3A_94 = tpu.memref_squeeze %dma_start3A_93 : memref<1x128x128xf32, #tpu.memory_space<hbm>> -> memref<128x128xf32, #tpu.memory_space<hbm>>
      tpu.enqueue_dma source(%arg13 : memref<128x128xf32, #tpu.memory_space<vmem>>) target(%dma_start3A_94 : memref<128x128xf32, #tpu.memory_space<hbm>>) target_semaphore(%run_scoped3A : memref<!tpu.dma_semaphore, #tpu.memory_space<semaphore_mem>>)
      %dma_wait3A = arith.constant 0 : i32
      %dma_wait3A_95 = tpu.memref_slice %arg7[%arg0, %add3A_78, %dma_wait3A] : memref<2x10240x128xf32, #tpu.memory_space<hbm>> -> memref<1x128x128xf32, #tpu.memory_space<hbm>>
      %dma_wait3A_96 = tpu.memref_squeeze %dma_wait3A_95 : memref<1x128x128xf32, #tpu.memory_space<hbm>> -> memref<128x128xf32, #tpu.memory_space<hbm>>
      %dma_wait3A_97 = arith.constant 0 : i32
      %dma_wait3A_98 = tpu.memref_slice %arg7[%arg0, %add3A_78, %dma_wait3A_97] : memref<2x10240x128xf32, #tpu.memory_space<hbm>> -> memref<1x128x128xf32, #tpu.memory_space<hbm>>
      %dma_wait3A_99 = tpu.memref_squeeze %dma_wait3A_98 : memref<1x128x128xf32, #tpu.memory_space<hbm>> -> memref<128x128xf32, #tpu.memory_space<hbm>>
      tpu.wait_dma2 semaphore(%run_scoped3A : memref<!tpu.dma_semaphore, #tpu.memory_space<semaphore_mem>>) src(%arg13 : memref<128x128xf32, #tpu.memory_space<vmem>>) dst(%dma_wait3A_99 : memref<128x128xf32, #tpu.memory_space<hbm>>)
      tpu.yield
    }) : () -> ()
    %add3A_79 = arith.constant 384 : i32
    %add3A_80 = arith.addi %mul3A_2, %add3A_79 : i32
    "tpu.region"() ({
      %run_scoped3A = tpu.sem_alloc : memref<!tpu.dma_semaphore, #tpu.memory_space<semaphore_mem>>
      %dma_start3A = arith.constant 0 : i32
      %dma_start3A_90 = tpu.memref_slice %arg9[%add3A_80, %dma_start3A] : memref<10240x128xf32, #tpu.memory_space<vmem_shared>> -> memref<128x128xf32, #tpu.memory_space<vmem_shared>>
      %dma_start3A_91 = arith.constant 0 : i32
      %dma_start3A_92 = tpu.memref_slice %arg9[%add3A_80, %dma_start3A_91] : memref<10240x128xf32, #tpu.memory_space<vmem_shared>> -> memref<128x128xf32, #tpu.memory_space<vmem_shared>>
      tpu.enqueue_dma source(%dma_start3A_92 : memref<128x128xf32, #tpu.memory_space<vmem_shared>>) target(%arg13 : memref<128x128xf32, #tpu.memory_space<vmem>>) target_semaphore(%run_scoped3A : memref<!tpu.dma_semaphore, #tpu.memory_space<semaphore_mem>>)
      %dma_wait3A = arith.constant 0 : i32
      %dma_wait3A_93 = tpu.memref_slice %arg9[%add3A_80, %dma_wait3A] : memref<10240x128xf32, #tpu.memory_space<vmem_shared>> -> memref<128x128xf32, #tpu.memory_space<vmem_shared>>
      %dma_wait3A_94 = arith.constant 0 : i32
      %dma_wait3A_95 = tpu.memref_slice %arg9[%add3A_80, %dma_wait3A_94] : memref<10240x128xf32, #tpu.memory_space<vmem_shared>> -> memref<128x128xf32, #tpu.memory_space<vmem_shared>>
      tpu.wait_dma2 semaphore(%run_scoped3A : memref<!tpu.dma_semaphore, #tpu.memory_space<semaphore_mem>>) src(%dma_wait3A_95 : memref<128x128xf32, #tpu.memory_space<vmem_shared>>) dst(%arg13 : memref<128x128xf32, #tpu.memory_space<vmem>>)
      tpu.yield
    }) : () -> ()
    %add3A_81 = arith.constant 384 : i32
    %add3A_82 = arith.addi %mul3A_2, %add3A_81 : i32
    "tpu.region"() ({
      %run_scoped3A = tpu.sem_alloc : memref<!tpu.dma_semaphore, #tpu.memory_space<semaphore_mem>>
      %dma_start3A = arith.constant 0 : i32
      %dma_start3A_90 = tpu.memref_slice %arg7[%arg0, %add3A_82, %dma_start3A] : memref<2x10240x128xf32, #tpu.memory_space<hbm>> -> memref<1x128x128xf32, #tpu.memory_space<hbm>>
      %dma_start3A_91 = tpu.memref_squeeze %dma_start3A_90 : memref<1x128x128xf32, #tpu.memory_space<hbm>> -> memref<128x128xf32, #tpu.memory_space<hbm>>
      %dma_start3A_92 = arith.constant 0 : i32
      %dma_start3A_93 = tpu.memref_slice %arg7[%arg0, %add3A_82, %dma_start3A_92] : memref<2x10240x128xf32, #tpu.memory_space<hbm>> -> memref<1x128x128xf32, #tpu.memory_space<hbm>>
      %dma_start3A_94 = tpu.memref_squeeze %dma_start3A_93 : memref<1x128x128xf32, #tpu.memory_space<hbm>> -> memref<128x128xf32, #tpu.memory_space<hbm>>
      tpu.enqueue_dma source(%arg13 : memref<128x128xf32, #tpu.memory_space<vmem>>) target(%dma_start3A_94 : memref<128x128xf32, #tpu.memory_space<hbm>>) target_semaphore(%run_scoped3A : memref<!tpu.dma_semaphore, #tpu.memory_space<semaphore_mem>>)
      %dma_wait3A = arith.constant 0 : i32
      %dma_wait3A_95 = tpu.memref_slice %arg7[%arg0, %add3A_82, %dma_wait3A] : memref<2x10240x128xf32, #tpu.memory_space<hbm>> -> memref<1x128x128xf32, #tpu.memory_space<hbm>>
      %dma_wait3A_96 = tpu.memref_squeeze %dma_wait3A_95 : memref<1x128x128xf32, #tpu.memory_space<hbm>> -> memref<128x128xf32, #tpu.memory_space<hbm>>
      %dma_wait3A_97 = arith.constant 0 : i32
      %dma_wait3A_98 = tpu.memref_slice %arg7[%arg0, %add3A_82, %dma_wait3A_97] : memref<2x10240x128xf32, #tpu.memory_space<hbm>> -> memref<1x128x128xf32, #tpu.memory_space<hbm>>
      %dma_wait3A_99 = tpu.memref_squeeze %dma_wait3A_98 : memref<1x128x128xf32, #tpu.memory_space<hbm>> -> memref<128x128xf32, #tpu.memory_space<hbm>>
      tpu.wait_dma2 semaphore(%run_scoped3A : memref<!tpu.dma_semaphore, #tpu.memory_space<semaphore_mem>>) src(%arg13 : memref<128x128xf32, #tpu.memory_space<vmem>>) dst(%dma_wait3A_99 : memref<128x128xf32, #tpu.memory_space<hbm>>)
      tpu.yield
    }) : () -> ()
    %add3A_83 = arith.constant 512 : i32
    %add3A_84 = arith.addi %mul3A_2, %add3A_83 : i32
    "tpu.region"() ({
      %run_scoped3A = tpu.sem_alloc : memref<!tpu.dma_semaphore, #tpu.memory_space<semaphore_mem>>
      %dma_start3A = arith.constant 0 : i32
      %dma_start3A_90 = tpu.memref_slice %arg9[%add3A_84, %dma_start3A] : memref<10240x128xf32, #tpu.memory_space<vmem_shared>> -> memref<128x128xf32, #tpu.memory_space<vmem_shared>>
      %dma_start3A_91 = arith.constant 0 : i32
      %dma_start3A_92 = tpu.memref_slice %arg9[%add3A_84, %dma_start3A_91] : memref<10240x128xf32, #tpu.memory_space<vmem_shared>> -> memref<128x128xf32, #tpu.memory_space<vmem_shared>>
      tpu.enqueue_dma source(%dma_start3A_92 : memref<128x128xf32, #tpu.memory_space<vmem_shared>>) target(%arg13 : memref<128x128xf32, #tpu.memory_space<vmem>>) target_semaphore(%run_scoped3A : memref<!tpu.dma_semaphore, #tpu.memory_space<semaphore_mem>>)
      %dma_wait3A = arith.constant 0 : i32
      %dma_wait3A_93 = tpu.memref_slice %arg9[%add3A_84, %dma_wait3A] : memref<10240x128xf32, #tpu.memory_space<vmem_shared>> -> memref<128x128xf32, #tpu.memory_space<vmem_shared>>
      %dma_wait3A_94 = arith.constant 0 : i32
      %dma_wait3A_95 = tpu.memref_slice %arg9[%add3A_84, %dma_wait3A_94] : memref<10240x128xf32, #tpu.memory_space<vmem_shared>> -> memref<128x128xf32, #tpu.memory_space<vmem_shared>>
      tpu.wait_dma2 semaphore(%run_scoped3A : memref<!tpu.dma_semaphore, #tpu.memory_space<semaphore_mem>>) src(%dma_wait3A_95 : memref<128x128xf32, #tpu.memory_space<vmem_shared>>) dst(%arg13 : memref<128x128xf32, #tpu.memory_space<vmem>>)
      tpu.yield
    }) : () -> ()
    %add3A_85 = arith.constant 512 : i32
    %add3A_86 = arith.addi %mul3A_2, %add3A_85 : i32
    "tpu.region"() ({
      %run_scoped3A = tpu.sem_alloc : memref<!tpu.dma_semaphore, #tpu.memory_space<semaphore_mem>>
      %dma_start3A = arith.constant 0 : i32
      %dma_start3A_90 = tpu.memref_slice %arg7[%arg0, %add3A_86, %dma_start3A] : memref<2x10240x128xf32, #tpu.memory_space<hbm>> -> memref<1x128x128xf32, #tpu.memory_space<hbm>>
      %dma_start3A_91 = tpu.memref_squeeze %dma_start3A_90 : memref<1x128x128xf32, #tpu.memory_space<hbm>> -> memref<128x128xf32, #tpu.memory_space<hbm>>
      %dma_start3A_92 = arith.constant 0 : i32
      %dma_start3A_93 = tpu.memref_slice %arg7[%arg0, %add3A_86, %dma_start3A_92] : memref<2x10240x128xf32, #tpu.memory_space<hbm>> -> memref<1x128x128xf32, #tpu.memory_space<hbm>>
      %dma_start3A_94 = tpu.memref_squeeze %dma_start3A_93 : memref<1x128x128xf32, #tpu.memory_space<hbm>> -> memref<128x128xf32, #tpu.memory_space<hbm>>
      tpu.enqueue_dma source(%arg13 : memref<128x128xf32, #tpu.memory_space<vmem>>) target(%dma_start3A_94 : memref<128x128xf32, #tpu.memory_space<hbm>>) target_semaphore(%run_scoped3A : memref<!tpu.dma_semaphore, #tpu.memory_space<semaphore_mem>>)
      %dma_wait3A = arith.constant 0 : i32
      %dma_wait3A_95 = tpu.memref_slice %arg7[%arg0, %add3A_86, %dma_wait3A] : memref<2x10240x128xf32, #tpu.memory_space<hbm>> -> memref<1x128x128xf32, #tpu.memory_space<hbm>>
      %dma_wait3A_96 = tpu.memref_squeeze %dma_wait3A_95 : memref<1x128x128xf32, #tpu.memory_space<hbm>> -> memref<128x128xf32, #tpu.memory_space<hbm>>
      %dma_wait3A_97 = arith.constant 0 : i32
      %dma_wait3A_98 = tpu.memref_slice %arg7[%arg0, %add3A_86, %dma_wait3A_97] : memref<2x10240x128xf32, #tpu.memory_space<hbm>> -> memref<1x128x128xf32, #tpu.memory_space<hbm>>
      %dma_wait3A_99 = tpu.memref_squeeze %dma_wait3A_98 : memref<1x128x128xf32, #tpu.memory_space<hbm>> -> memref<128x128xf32, #tpu.memory_space<hbm>>
      tpu.wait_dma2 semaphore(%run_scoped3A : memref<!tpu.dma_semaphore, #tpu.memory_space<semaphore_mem>>) src(%arg13 : memref<128x128xf32, #tpu.memory_space<vmem>>) dst(%dma_wait3A_99 : memref<128x128xf32, #tpu.memory_space<hbm>>)
      tpu.yield
    }) : () -> ()
    "tpu.region"() ({
      %run_scoped3A = tpu.sem_alloc : memref<!tpu.dma_semaphore, #tpu.memory_space<semaphore_mem>>
      %dma_start3A = tpu.memref_slice %arg10[%mul3A_2] : memref<10240xf32, #tpu.memory_space<vmem_shared>> -> memref<640xf32, #tpu.memory_space<vmem_shared>>
      %dma_start3A_90 = tpu.memref_slice %arg10[%mul3A_2] : memref<10240xf32, #tpu.memory_space<vmem_shared>> -> memref<640xf32, #tpu.memory_space<vmem_shared>>
      tpu.enqueue_dma source(%dma_start3A_90 : memref<640xf32, #tpu.memory_space<vmem_shared>>) target(%arg15 : memref<640xf32, #tpu.memory_space<vmem>>) target_semaphore(%run_scoped3A : memref<!tpu.dma_semaphore, #tpu.memory_space<semaphore_mem>>)
      %dma_wait3A = tpu.memref_slice %arg10[%mul3A_2] : memref<10240xf32, #tpu.memory_space<vmem_shared>> -> memref<640xf32, #tpu.memory_space<vmem_shared>>
      %dma_wait3A_91 = tpu.memref_slice %arg10[%mul3A_2] : memref<10240xf32, #tpu.memory_space<vmem_shared>> -> memref<640xf32, #tpu.memory_space<vmem_shared>>
      tpu.wait_dma2 semaphore(%run_scoped3A : memref<!tpu.dma_semaphore, #tpu.memory_space<semaphore_mem>>) src(%dma_wait3A_91 : memref<640xf32, #tpu.memory_space<vmem_shared>>) dst(%arg15 : memref<640xf32, #tpu.memory_space<vmem>>)
      tpu.yield
    }) : () -> ()
    %mul3A_87 = arith.constant 10240 : i32
    %mul3A_88 = arith.muli %arg0, %mul3A_87 : i32
    %add3A_89 = arith.addi %mul3A_88, %mul3A_2 : i32
    "tpu.region"() ({
      %run_scoped3A = tpu.sem_alloc : memref<!tpu.dma_semaphore, #tpu.memory_space<semaphore_mem>>
      %dma_start3A = tpu.memref_slice %arg8[%add3A_89] : memref<20480xf32, #tpu.memory_space<hbm>> -> memref<640xf32, #tpu.memory_space<hbm>>
      %dma_start3A_90 = tpu.memref_slice %arg8[%add3A_89] : memref<20480xf32, #tpu.memory_space<hbm>> -> memref<640xf32, #tpu.memory_space<hbm>>
      tpu.enqueue_dma source(%arg15 : memref<640xf32, #tpu.memory_space<vmem>>) target(%dma_start3A_90 : memref<640xf32, #tpu.memory_space<hbm>>) target_semaphore(%run_scoped3A : memref<!tpu.dma_semaphore, #tpu.memory_space<semaphore_mem>>)
      %dma_wait3A = tpu.memref_slice %arg8[%add3A_89] : memref<20480xf32, #tpu.memory_space<hbm>> -> memref<640xf32, #tpu.memory_space<hbm>>
      %dma_wait3A_91 = tpu.memref_slice %arg8[%add3A_89] : memref<20480xf32, #tpu.memory_space<hbm>> -> memref<640xf32, #tpu.memory_space<hbm>>
      tpu.wait_dma2 semaphore(%run_scoped3A : memref<!tpu.dma_semaphore, #tpu.memory_space<semaphore_mem>>) src(%arg15 : memref<640xf32, #tpu.memory_space<vmem>>) dst(%dma_wait3A_91 : memref<640xf32, #tpu.memory_space<hbm>>)
      tpu.yield
    }) : () -> ()
    return
  }
}

#map = affine_map<(d0, d1) -> (0, 0)>
#map1 = affine_map<(d0, d1) -> (0)>
#map2 = affine_map<(d0, d1) -> (0, 0, 0)>
module attributes {stable_mosaic.version = 14 : i64} {
  func.func @_sc_agg_body(%arg0: i32, %arg1: i32, %arg2: memref<10000x128xf32, #tpu.memory_space<hbm>>, %arg3: memref<323584xi32, #tpu.memory_space<hbm>>, %arg4: memref<323584xi32, #tpu.memory_space<hbm>>, %arg5: memref<10240x128xf32, #tpu.memory_space<hbm>>, %arg6: memref<10240xf32, #tpu.memory_space<hbm>>, %arg7: memref<2x10240x128xf32, #tpu.memory_space<hbm>>, %arg8: memref<20480xf32, #tpu.memory_space<hbm>>, %arg9: memref<10240x128xf32, #tpu.memory_space<vmem_shared>>, %arg10: memref<10240xf32, #tpu.memory_space<vmem_shared>>, %arg11: memref<128xi32, #tpu.memory_space<vmem>>, %arg12: memref<128xi32, #tpu.memory_space<vmem>>, %arg13: memref<128x128xf32, #tpu.memory_space<vmem>>, %arg14: memref<128xf32, #tpu.memory_space<vmem>>, %arg15: memref<640xf32, #tpu.memory_space<vmem>>, %arg16: memref<!tpu.dma_semaphore, #tpu.memory_space<semaphore_mem>>) attributes {dimension_semantics = [#tpu.dimension_semantics<core_parallel>, #tpu.dimension_semantics<subcore_parallel>], iteration_bounds = array<i64: 2, 16>, scalar_prefetch = 0 : i64, scratch_operands = 8 : i64, tpu.core_type = #tpu.core_type<sc_vector_subcore>, window_params = [{transform_indices = #map}, {transform_indices = #map1}, {transform_indices = #map1}, {transform_indices = #map}, {transform_indices = #map1}, {transform_indices = #map2}, {transform_indices = #map1}]} {
    %mul3A = arith.constant 2 : i32
    %mul3A_0 = arith.muli %arg1, %mul3A : i32
    %add3A = arith.addi %mul3A_0, %arg0 : i32
    %mul3A_1 = arith.constant 640 : i32
    %mul3A_2 = arith.muli %arg1, %mul3A_1 : i32
    "tpu.region"() ({
      %run_scoped3A = tpu.sem_alloc : memref<!tpu.dma_semaphore, #tpu.memory_space<semaphore_mem>>
      %dma_start3A = arith.constant 0 : i32
      %dma_start3A_90 = arith.constant 0 : i32
      %dma_start3A_91 = tpu.memref_slice %arg5[%dma_start3A, %dma_start3A_90] : memref<10240x128xf32, #tpu.memory_space<hbm>> -> memref<128x128xf32, #tpu.memory_space<hbm>>
      %dma_start3A_92 = arith.constant 0 : i32
      %dma_start3A_93 = arith.constant 0 : i32
      %dma_start3A_94 = tpu.memref_slice %arg5[%dma_start3A_92, %dma_start3A_93] : memref<10240x128xf32, #tpu.memory_space<hbm>> -> memref<128x128xf32, #tpu.memory_space<hbm>>
      tpu.enqueue_dma source(%dma_start3A_94 : memref<128x128xf32, #tpu.memory_space<hbm>>) target(%arg13 : memref<128x128xf32, #tpu.memory_space<vmem>>) target_semaphore(%run_scoped3A : memref<!tpu.dma_semaphore, #tpu.memory_space<semaphore_mem>>)
      %dma_wait3A = arith.constant 0 : i32
      %dma_wait3A_95 = arith.constant 0 : i32
      %dma_wait3A_96 = tpu.memref_slice %arg5[%dma_wait3A, %dma_wait3A_95] : memref<10240x128xf32, #tpu.memory_space<hbm>> -> memref<128x128xf32, #tpu.memory_space<hbm>>
      %dma_wait3A_97 = arith.constant 0 : i32
      %dma_wait3A_98 = arith.constant 0 : i32
      %dma_wait3A_99 = tpu.memref_slice %arg5[%dma_wait3A_97, %dma_wait3A_98] : memref<10240x128xf32, #tpu.memory_space<hbm>> -> memref<128x128xf32, #tpu.memory_space<hbm>>
      tpu.wait_dma2 semaphore(%run_scoped3A : memref<!tpu.dma_semaphore, #tpu.memory_space<semaphore_mem>>) src(%dma_wait3A_99 : memref<128x128xf32, #tpu.memory_space<hbm>>) dst(%arg13 : memref<128x128xf32, #tpu.memory_space<vmem>>)
      tpu.yield
    }) : () -> ()
    %add3A_3 = arith.constant 0 : i32
    %add3A_4 = arith.addi %mul3A_2, %add3A_3 : i32
    "tpu.region"() ({
      %run_scoped3A = tpu.sem_alloc : memref<!tpu.dma_semaphore, #tpu.memory_space<semaphore_mem>>
      %dma_start3A = arith.constant 0 : i32
      %dma_start3A_90 = tpu.memref_slice %arg9[%add3A_4, %dma_start3A] : memref<10240x128xf32, #tpu.memory_space<vmem_shared>> -> memref<128x128xf32, #tpu.memory_space<vmem_shared>>
      %dma_start3A_91 = arith.constant 0 : i32
      %dma_start3A_92 = tpu.memref_slice %arg9[%add3A_4, %dma_start3A_91] : memref<10240x128xf32, #tpu.memory_space<vmem_shared>> -> memref<128x128xf32, #tpu.memory_space<vmem_shared>>
      tpu.enqueue_dma source(%arg13 : memref<128x128xf32, #tpu.memory_space<vmem>>) target(%dma_start3A_92 : memref<128x128xf32, #tpu.memory_space<vmem_shared>>) target_semaphore(%run_scoped3A : memref<!tpu.dma_semaphore, #tpu.memory_space<semaphore_mem>>)
      %dma_wait3A = arith.constant 0 : i32
      %dma_wait3A_93 = tpu.memref_slice %arg9[%add3A_4, %dma_wait3A] : memref<10240x128xf32, #tpu.memory_space<vmem_shared>> -> memref<128x128xf32, #tpu.memory_space<vmem_shared>>
      %dma_wait3A_94 = arith.constant 0 : i32
      %dma_wait3A_95 = tpu.memref_slice %arg9[%add3A_4, %dma_wait3A_94] : memref<10240x128xf32, #tpu.memory_space<vmem_shared>> -> memref<128x128xf32, #tpu.memory_space<vmem_shared>>
      tpu.wait_dma2 semaphore(%run_scoped3A : memref<!tpu.dma_semaphore, #tpu.memory_space<semaphore_mem>>) src(%arg13 : memref<128x128xf32, #tpu.memory_space<vmem>>) dst(%dma_wait3A_95 : memref<128x128xf32, #tpu.memory_space<vmem_shared>>)
      tpu.yield
    }) : () -> ()
    %add3A_5 = arith.constant 128 : i32
    %add3A_6 = arith.addi %mul3A_2, %add3A_5 : i32
    "tpu.region"() ({
      %run_scoped3A = tpu.sem_alloc : memref<!tpu.dma_semaphore, #tpu.memory_space<semaphore_mem>>
      %dma_start3A = arith.constant 0 : i32
      %dma_start3A_90 = tpu.memref_slice %arg9[%add3A_6, %dma_start3A] : memref<10240x128xf32, #tpu.memory_space<vmem_shared>> -> memref<128x128xf32, #tpu.memory_space<vmem_shared>>
      %dma_start3A_91 = arith.constant 0 : i32
      %dma_start3A_92 = tpu.memref_slice %arg9[%add3A_6, %dma_start3A_91] : memref<10240x128xf32, #tpu.memory_space<vmem_shared>> -> memref<128x128xf32, #tpu.memory_space<vmem_shared>>
      tpu.enqueue_dma source(%arg13 : memref<128x128xf32, #tpu.memory_space<vmem>>) target(%dma_start3A_92 : memref<128x128xf32, #tpu.memory_space<vmem_shared>>) target_semaphore(%run_scoped3A : memref<!tpu.dma_semaphore, #tpu.memory_space<semaphore_mem>>)
      %dma_wait3A = arith.constant 0 : i32
      %dma_wait3A_93 = tpu.memref_slice %arg9[%add3A_6, %dma_wait3A] : memref<10240x128xf32, #tpu.memory_space<vmem_shared>> -> memref<128x128xf32, #tpu.memory_space<vmem_shared>>
      %dma_wait3A_94 = arith.constant 0 : i32
      %dma_wait3A_95 = tpu.memref_slice %arg9[%add3A_6, %dma_wait3A_94] : memref<10240x128xf32, #tpu.memory_space<vmem_shared>> -> memref<128x128xf32, #tpu.memory_space<vmem_shared>>
      tpu.wait_dma2 semaphore(%run_scoped3A : memref<!tpu.dma_semaphore, #tpu.memory_space<semaphore_mem>>) src(%arg13 : memref<128x128xf32, #tpu.memory_space<vmem>>) dst(%dma_wait3A_95 : memref<128x128xf32, #tpu.memory_space<vmem_shared>>)
      tpu.yield
    }) : () -> ()
    %add3A_7 = arith.constant 256 : i32
    %add3A_8 = arith.addi %mul3A_2, %add3A_7 : i32
    "tpu.region"() ({
      %run_scoped3A = tpu.sem_alloc : memref<!tpu.dma_semaphore, #tpu.memory_space<semaphore_mem>>
      %dma_start3A = arith.constant 0 : i32
      %dma_start3A_90 = tpu.memref_slice %arg9[%add3A_8, %dma_start3A] : memref<10240x128xf32, #tpu.memory_space<vmem_shared>> -> memref<128x128xf32, #tpu.memory_space<vmem_shared>>
      %dma_start3A_91 = arith.constant 0 : i32
      %dma_start3A_92 = tpu.memref_slice %arg9[%add3A_8, %dma_start3A_91] : memref<10240x128xf32, #tpu.memory_space<vmem_shared>> -> memref<128x128xf32, #tpu.memory_space<vmem_shared>>
      tpu.enqueue_dma source(%arg13 : memref<128x128xf32, #tpu.memory_space<vmem>>) target(%dma_start3A_92 : memref<128x128xf32, #tpu.memory_space<vmem_shared>>) target_semaphore(%run_scoped3A : memref<!tpu.dma_semaphore, #tpu.memory_space<semaphore_mem>>)
      %dma_wait3A = arith.constant 0 : i32
      %dma_wait3A_93 = tpu.memref_slice %arg9[%add3A_8, %dma_wait3A] : memref<10240x128xf32, #tpu.memory_space<vmem_shared>> -> memref<128x128xf32, #tpu.memory_space<vmem_shared>>
      %dma_wait3A_94 = arith.constant 0 : i32
      %dma_wait3A_95 = tpu.memref_slice %arg9[%add3A_8, %dma_wait3A_94] : memref<10240x128xf32, #tpu.memory_space<vmem_shared>> -> memref<128x128xf32, #tpu.memory_space<vmem_shared>>
      tpu.wait_dma2 semaphore(%run_scoped3A : memref<!tpu.dma_semaphore, #tpu.memory_space<semaphore_mem>>) src(%arg13 : memref<128x128xf32, #tpu.memory_space<vmem>>) dst(%dma_wait3A_95 : memref<128x128xf32, #tpu.memory_space<vmem_shared>>)
      tpu.yield
    }) : () -> ()
    %add3A_9 = arith.constant 384 : i32
    %add3A_10 = arith.addi %mul3A_2, %add3A_9 : i32
    "tpu.region"() ({
      %run_scoped3A = tpu.sem_alloc : memref<!tpu.dma_semaphore, #tpu.memory_space<semaphore_mem>>
      %dma_start3A = arith.constant 0 : i32
      %dma_start3A_90 = tpu.memref_slice %arg9[%add3A_10, %dma_start3A] : memref<10240x128xf32, #tpu.memory_space<vmem_shared>> -> memref<128x128xf32, #tpu.memory_space<vmem_shared>>
      %dma_start3A_91 = arith.constant 0 : i32
      %dma_start3A_92 = tpu.memref_slice %arg9[%add3A_10, %dma_start3A_91] : memref<10240x128xf32, #tpu.memory_space<vmem_shared>> -> memref<128x128xf32, #tpu.memory_space<vmem_shared>>
      tpu.enqueue_dma source(%arg13 : memref<128x128xf32, #tpu.memory_space<vmem>>) target(%dma_start3A_92 : memref<128x128xf32, #tpu.memory_space<vmem_shared>>) target_semaphore(%run_scoped3A : memref<!tpu.dma_semaphore, #tpu.memory_space<semaphore_mem>>)
      %dma_wait3A = arith.constant 0 : i32
      %dma_wait3A_93 = tpu.memref_slice %arg9[%add3A_10, %dma_wait3A] : memref<10240x128xf32, #tpu.memory_space<vmem_shared>> -> memref<128x128xf32, #tpu.memory_space<vmem_shared>>
      %dma_wait3A_94 = arith.constant 0 : i32
      %dma_wait3A_95 = tpu.memref_slice %arg9[%add3A_10, %dma_wait3A_94] : memref<10240x128xf32, #tpu.memory_space<vmem_shared>> -> memref<128x128xf32, #tpu.memory_space<vmem_shared>>
      tpu.wait_dma2 semaphore(%run_scoped3A : memref<!tpu.dma_semaphore, #tpu.memory_space<semaphore_mem>>) src(%arg13 : memref<128x128xf32, #tpu.memory_space<vmem>>) dst(%dma_wait3A_95 : memref<128x128xf32, #tpu.memory_space<vmem_shared>>)
      tpu.yield
    }) : () -> ()
    %add3A_11 = arith.constant 512 : i32
    %add3A_12 = arith.addi %mul3A_2, %add3A_11 : i32
    "tpu.region"() ({
      %run_scoped3A = tpu.sem_alloc : memref<!tpu.dma_semaphore, #tpu.memory_space<semaphore_mem>>
      %dma_start3A = arith.constant 0 : i32
      %dma_start3A_90 = tpu.memref_slice %arg9[%add3A_12, %dma_start3A] : memref<10240x128xf32, #tpu.memory_space<vmem_shared>> -> memref<128x128xf32, #tpu.memory_space<vmem_shared>>
      %dma_start3A_91 = arith.constant 0 : i32
      %dma_start3A_92 = tpu.memref_slice %arg9[%add3A_12, %dma_start3A_91] : memref<10240x128xf32, #tpu.memory_space<vmem_shared>> -> memref<128x128xf32, #tpu.memory_space<vmem_shared>>
      tpu.enqueue_dma source(%arg13 : memref<128x128xf32, #tpu.memory_space<vmem>>) target(%dma_start3A_92 : memref<128x128xf32, #tpu.memory_space<vmem_shared>>) target_semaphore(%run_scoped3A : memref<!tpu.dma_semaphore, #tpu.memory_space<semaphore_mem>>)
      %dma_wait3A = arith.constant 0 : i32
      %dma_wait3A_93 = tpu.memref_slice %arg9[%add3A_12, %dma_wait3A] : memref<10240x128xf32, #tpu.memory_space<vmem_shared>> -> memref<128x128xf32, #tpu.memory_space<vmem_shared>>
      %dma_wait3A_94 = arith.constant 0 : i32
      %dma_wait3A_95 = tpu.memref_slice %arg9[%add3A_12, %dma_wait3A_94] : memref<10240x128xf32, #tpu.memory_space<vmem_shared>> -> memref<128x128xf32, #tpu.memory_space<vmem_shared>>
      tpu.wait_dma2 semaphore(%run_scoped3A : memref<!tpu.dma_semaphore, #tpu.memory_space<semaphore_mem>>) src(%arg13 : memref<128x128xf32, #tpu.memory_space<vmem>>) dst(%dma_wait3A_95 : memref<128x128xf32, #tpu.memory_space<vmem_shared>>)
      tpu.yield
    }) : () -> ()
    "tpu.region"() ({
      %run_scoped3A = tpu.sem_alloc : memref<!tpu.dma_semaphore, #tpu.memory_space<semaphore_mem>>
      %dma_start3A = tpu.memref_slice %arg6[%mul3A_2] : memref<10240xf32, #tpu.memory_space<hbm>> -> memref<640xf32, #tpu.memory_space<hbm>>
      %dma_start3A_90 = tpu.memref_slice %arg6[%mul3A_2] : memref<10240xf32, #tpu.memory_space<hbm>> -> memref<640xf32, #tpu.memory_space<hbm>>
      tpu.enqueue_dma source(%dma_start3A_90 : memref<640xf32, #tpu.memory_space<hbm>>) target(%arg15 : memref<640xf32, #tpu.memory_space<vmem>>) target_semaphore(%run_scoped3A : memref<!tpu.dma_semaphore, #tpu.memory_space<semaphore_mem>>)
      %dma_wait3A = tpu.memref_slice %arg6[%mul3A_2] : memref<10240xf32, #tpu.memory_space<hbm>> -> memref<640xf32, #tpu.memory_space<hbm>>
      %dma_wait3A_91 = tpu.memref_slice %arg6[%mul3A_2] : memref<10240xf32, #tpu.memory_space<hbm>> -> memref<640xf32, #tpu.memory_space<hbm>>
      tpu.wait_dma2 semaphore(%run_scoped3A : memref<!tpu.dma_semaphore, #tpu.memory_space<semaphore_mem>>) src(%dma_wait3A_91 : memref<640xf32, #tpu.memory_space<hbm>>) dst(%arg15 : memref<640xf32, #tpu.memory_space<vmem>>)
      tpu.yield
    }) : () -> ()
    "tpu.region"() ({
      %run_scoped3A = tpu.sem_alloc : memref<!tpu.dma_semaphore, #tpu.memory_space<semaphore_mem>>
      %dma_start3A = tpu.memref_slice %arg10[%mul3A_2] : memref<10240xf32, #tpu.memory_space<vmem_shared>> -> memref<640xf32, #tpu.memory_space<vmem_shared>>
      %dma_start3A_90 = tpu.memref_slice %arg10[%mul3A_2] : memref<10240xf32, #tpu.memory_space<vmem_shared>> -> memref<640xf32, #tpu.memory_space<vmem_shared>>
      tpu.enqueue_dma source(%arg15 : memref<640xf32, #tpu.memory_space<vmem>>) target(%dma_start3A_90 : memref<640xf32, #tpu.memory_space<vmem_shared>>) target_semaphore(%run_scoped3A : memref<!tpu.dma_semaphore, #tpu.memory_space<semaphore_mem>>)
      %dma_wait3A = tpu.memref_slice %arg10[%mul3A_2] : memref<10240xf32, #tpu.memory_space<vmem_shared>> -> memref<640xf32, #tpu.memory_space<vmem_shared>>
      %dma_wait3A_91 = tpu.memref_slice %arg10[%mul3A_2] : memref<10240xf32, #tpu.memory_space<vmem_shared>> -> memref<640xf32, #tpu.memory_space<vmem_shared>>
      tpu.wait_dma2 semaphore(%run_scoped3A : memref<!tpu.dma_semaphore, #tpu.memory_space<semaphore_mem>>) src(%arg15 : memref<640xf32, #tpu.memory_space<vmem>>) dst(%dma_wait3A_91 : memref<640xf32, #tpu.memory_space<vmem_shared>>)
      tpu.yield
    }) : () -> ()
    %broadcast_in_dim3A = arith.constant 1.000000e+00 : f32
    %broadcast_in_dim3A_13 = vector.broadcast %broadcast_in_dim3A : f32 to vector<16xf32>
    %swap3A = arith.constant 0 : index
    %swap3A_14 = tpu.vector_load %arg14[%swap3A] {strides = array<i32>} : memref<128xf32, #tpu.memory_space<vmem>>, vector<16xf32>,
    %swap3A_15 = vector.shape_cast %swap3A_14 : vector<16xf32> to vector<16xf32>
    %swap3A_16 = vector.shape_cast %broadcast_in_dim3A_13 : vector<16xf32> to vector<16xf32>
    tpu.vector_store %arg14[%swap3A], %swap3A_16 {strides = array<i32>} : memref<128xf32, #tpu.memory_space<vmem>>, vector<16xf32>,
    %broadcast_in_dim3A_17 = arith.constant 1.000000e+00 : f32
    %broadcast_in_dim3A_18 = vector.broadcast %broadcast_in_dim3A_17 : f32 to vector<16xf32>
    %swap3A_19 = arith.constant 16 : index
    %swap3A_20 = tpu.vector_load %arg14[%swap3A_19] {strides = array<i32>} : memref<128xf32, #tpu.memory_space<vmem>>, vector<16xf32>,
    %swap3A_21 = vector.shape_cast %swap3A_20 : vector<16xf32> to vector<16xf32>
    %swap3A_22 = vector.shape_cast %broadcast_in_dim3A_18 : vector<16xf32> to vector<16xf32>
    tpu.vector_store %arg14[%swap3A_19], %swap3A_22 {strides = array<i32>} : memref<128xf32, #tpu.memory_space<vmem>>, vector<16xf32>,
    %broadcast_in_dim3A_23 = arith.constant 1.000000e+00 : f32
    %broadcast_in_dim3A_24 = vector.broadcast %broadcast_in_dim3A_23 : f32 to vector<16xf32>
    %swap3A_25 = arith.constant 32 : index
    %swap3A_26 = tpu.vector_load %arg14[%swap3A_25] {strides = array<i32>} : memref<128xf32, #tpu.memory_space<vmem>>, vector<16xf32>,
    %swap3A_27 = vector.shape_cast %swap3A_26 : vector<16xf32> to vector<16xf32>
    %swap3A_28 = vector.shape_cast %broadcast_in_dim3A_24 : vector<16xf32> to vector<16xf32>
    tpu.vector_store %arg14[%swap3A_25], %swap3A_28 {strides = array<i32>} : memref<128xf32, #tpu.memory_space<vmem>>, vector<16xf32>,
    %broadcast_in_dim3A_29 = arith.constant 1.000000e+00 : f32
    %broadcast_in_dim3A_30 = vector.broadcast %broadcast_in_dim3A_29 : f32 to vector<16xf32>
    %swap3A_31 = arith.constant 48 : index
    %swap3A_32 = tpu.vector_load %arg14[%swap3A_31] {strides = array<i32>} : memref<128xf32, #tpu.memory_space<vmem>>, vector<16xf32>,
    %swap3A_33 = vector.shape_cast %swap3A_32 : vector<16xf32> to vector<16xf32>
    %swap3A_34 = vector.shape_cast %broadcast_in_dim3A_30 : vector<16xf32> to vector<16xf32>
    tpu.vector_store %arg14[%swap3A_31], %swap3A_34 {strides = array<i32>} : memref<128xf32, #tpu.memory_space<vmem>>, vector<16xf32>,
    %broadcast_in_dim3A_35 = arith.constant 1.000000e+00 : f32
    %broadcast_in_dim3A_36 = vector.broadcast %broadcast_in_dim3A_35 : f32 to vector<16xf32>
    %swap3A_37 = arith.constant 64 : index
    %swap3A_38 = tpu.vector_load %arg14[%swap3A_37] {strides = array<i32>} : memref<128xf32, #tpu.memory_space<vmem>>, vector<16xf32>,
    %swap3A_39 = vector.shape_cast %swap3A_38 : vector<16xf32> to vector<16xf32>
    %swap3A_40 = vector.shape_cast %broadcast_in_dim3A_36 : vector<16xf32> to vector<16xf32>
    tpu.vector_store %arg14[%swap3A_37], %swap3A_40 {strides = array<i32>} : memref<128xf32, #tpu.memory_space<vmem>>, vector<16xf32>,
    %broadcast_in_dim3A_41 = arith.constant 1.000000e+00 : f32
    %broadcast_in_dim3A_42 = vector.broadcast %broadcast_in_dim3A_41 : f32 to vector<16xf32>
    %swap3A_43 = arith.constant 80 : index
    %swap3A_44 = tpu.vector_load %arg14[%swap3A_43] {strides = array<i32>} : memref<128xf32, #tpu.memory_space<vmem>>, vector<16xf32>,
    %swap3A_45 = vector.shape_cast %swap3A_44 : vector<16xf32> to vector<16xf32>
    %swap3A_46 = vector.shape_cast %broadcast_in_dim3A_42 : vector<16xf32> to vector<16xf32>
    tpu.vector_store %arg14[%swap3A_43], %swap3A_46 {strides = array<i32>} : memref<128xf32, #tpu.memory_space<vmem>>, vector<16xf32>,
    %broadcast_in_dim3A_47 = arith.constant 1.000000e+00 : f32
    %broadcast_in_dim3A_48 = vector.broadcast %broadcast_in_dim3A_47 : f32 to vector<16xf32>
    %swap3A_49 = arith.constant 96 : index
    %swap3A_50 = tpu.vector_load %arg14[%swap3A_49] {strides = array<i32>} : memref<128xf32, #tpu.memory_space<vmem>>, vector<16xf32>,
    %swap3A_51 = vector.shape_cast %swap3A_50 : vector<16xf32> to vector<16xf32>
    %swap3A_52 = vector.shape_cast %broadcast_in_dim3A_48 : vector<16xf32> to vector<16xf32>
    tpu.vector_store %arg14[%swap3A_49], %swap3A_52 {strides = array<i32>} : memref<128xf32, #tpu.memory_space<vmem>>, vector<16xf32>,
    %broadcast_in_dim3A_53 = arith.constant 1.000000e+00 : f32
    %broadcast_in_dim3A_54 = vector.broadcast %broadcast_in_dim3A_53 : f32 to vector<16xf32>
    %swap3A_55 = arith.constant 112 : index
    %swap3A_56 = tpu.vector_load %arg14[%swap3A_55] {strides = array<i32>} : memref<128xf32, #tpu.memory_space<vmem>>, vector<16xf32>,
    %swap3A_57 = vector.shape_cast %swap3A_56 : vector<16xf32> to vector<16xf32>
    %swap3A_58 = vector.shape_cast %broadcast_in_dim3A_54 : vector<16xf32> to vector<16xf32>
    tpu.vector_store %arg14[%swap3A_55], %swap3A_58 {strides = array<i32>} : memref<128xf32, #tpu.memory_space<vmem>>, vector<16xf32>,
    %barrier3A = arith.constant 0 : index
    tpu.barrier barrier_id(%barrier3A)
    %mul3A_59 = arith.constant 10112 : i32
    %mul3A_60 = arith.muli %add3A, %mul3A_59 : i32
    %scan3A = arith.constant 0 : i32
    %scan3A_61 = arith.constant 0 : i32
    %scan3A_62 = arith.constant 79 : i32
    %scan3A_63 = arith.addi %scan3A_61, %scan3A_62 : i32
    %scan3A_64 = arith.constant 1 : i32
    scf.for %scan3A_90 = %scan3A_61 to %scan3A_63 step %scan3A_64  : i32 {
      %mul3A_91 = arith.constant 128 : i32
      %mul3A_92 = arith.muli %scan3A_90, %mul3A_91 : i32
      %add3A_93 = arith.addi %mul3A_60, %mul3A_92 : i32
      "tpu.region"() ({
        %run_scoped3A = tpu.sem_alloc : memref<!tpu.dma_semaphore, #tpu.memory_space<semaphore_mem>>
        %dma_start3A_98 = tpu.memref_slice %arg3[%add3A_93] : memref<323584xi32, #tpu.memory_space<hbm>> -> memref<128xi32, #tpu.memory_space<hbm>>
        %dma_start3A_99 = tpu.memref_slice %arg3[%add3A_93] : memref<323584xi32, #tpu.memory_space<hbm>> -> memref<128xi32, #tpu.memory_space<hbm>>
        tpu.enqueue_dma source(%dma_start3A_99 : memref<128xi32, #tpu.memory_space<hbm>>) target(%arg11 : memref<128xi32, #tpu.memory_space<vmem>>) target_semaphore(%run_scoped3A : memref<!tpu.dma_semaphore, #tpu.memory_space<semaphore_mem>>)
        %dma_wait3A_100 = tpu.memref_slice %arg3[%add3A_93] : memref<323584xi32, #tpu.memory_space<hbm>> -> memref<128xi32, #tpu.memory_space<hbm>>
        %dma_wait3A_101 = tpu.memref_slice %arg3[%add3A_93] : memref<323584xi32, #tpu.memory_space<hbm>> -> memref<128xi32, #tpu.memory_space<hbm>>
        tpu.wait_dma2 semaphore(%run_scoped3A : memref<!tpu.dma_semaphore, #tpu.memory_space<semaphore_mem>>) src(%dma_wait3A_101 : memref<128xi32, #tpu.memory_space<hbm>>) dst(%arg11 : memref<128xi32, #tpu.memory_space<vmem>>)
        tpu.yield
      }) : () -> ()
      "tpu.region"() ({
        %run_scoped3A = tpu.sem_alloc : memref<!tpu.dma_semaphore, #tpu.memory_space<semaphore_mem>>
        %dma_start3A_98 = tpu.memref_slice %arg4[%add3A_93] : memref<323584xi32, #tpu.memory_space<hbm>> -> memref<128xi32, #tpu.memory_space<hbm>>
        %dma_start3A_99 = tpu.memref_slice %arg4[%add3A_93] : memref<323584xi32, #tpu.memory_space<hbm>> -> memref<128xi32, #tpu.memory_space<hbm>>
        tpu.enqueue_dma source(%dma_start3A_99 : memref<128xi32, #tpu.memory_space<hbm>>) target(%arg12 : memref<128xi32, #tpu.memory_space<vmem>>) target_semaphore(%run_scoped3A : memref<!tpu.dma_semaphore, #tpu.memory_space<semaphore_mem>>)
        %dma_wait3A_100 = tpu.memref_slice %arg4[%add3A_93] : memref<323584xi32, #tpu.memory_space<hbm>> -> memref<128xi32, #tpu.memory_space<hbm>>
        %dma_wait3A_101 = tpu.memref_slice %arg4[%add3A_93] : memref<323584xi32, #tpu.memory_space<hbm>> -> memref<128xi32, #tpu.memory_space<hbm>>
        tpu.wait_dma2 semaphore(%run_scoped3A : memref<!tpu.dma_semaphore, #tpu.memory_space<semaphore_mem>>) src(%dma_wait3A_101 : memref<128xi32, #tpu.memory_space<hbm>>) dst(%arg12 : memref<128xi32, #tpu.memory_space<vmem>>)
        tpu.yield
      }) : () -> ()
      %dma_start3A = arith.constant 0 : i32
      %dma_start3A_94 = arith.constant 0 : i32
      %dma_start3A_95 = tpu.memref_slice %arg2[%dma_start3A, %dma_start3A_94] : memref<10000x128xf32, #tpu.memory_space<hbm>> -> memref<10000x128xf32, #tpu.memory_space<hbm>>
      tpu.enqueue_indirect_dma source(%dma_start3A_95 : memref<10000x128xf32, #tpu.memory_space<hbm>>) target(%arg13 : memref<128x128xf32, #tpu.memory_space<vmem>>) offsets(%arg11 : memref<128xi32, #tpu.memory_space<vmem>>) semaphore(%arg16 : memref<!tpu.dma_semaphore, #tpu.memory_space<semaphore_mem>>)
      %dma_wait3A = arith.constant 0 : i32
      %dma_wait3A_96 = arith.constant 0 : i32
      %dma_wait3A_97 = tpu.memref_slice %arg2[%dma_wait3A, %dma_wait3A_96] : memref<10000x128xf32, #tpu.memory_space<hbm>> -> memref<10000x128xf32, #tpu.memory_space<hbm>>
      tpu.wait_indirect_dma semaphore(%arg16 : memref<!tpu.dma_semaphore, #tpu.memory_space<semaphore_mem>>) src(%dma_wait3A_97 : memref<10000x128xf32, #tpu.memory_space<hbm>>) dst(%arg13 : memref<128x128xf32, #tpu.memory_space<vmem>>)
      "tpu.region"() ({
        %run_scoped3A = tpu.sem_alloc : memref<!tpu.dma_semaphore, #tpu.memory_space<semaphore_mem>>
        %dma_start3A_98 = arith.constant 0 : i32
        %dma_start3A_99 = arith.constant 0 : i32
        %dma_start3A_100 = tpu.memref_slice %arg9[%dma_start3A_98, %dma_start3A_99] : memref<10240x128xf32, #tpu.memory_space<vmem_shared>> -> memref<10240x128xf32, #tpu.memory_space<vmem_shared>>
        tpu.enqueue_indirect_dma source(%arg13 : memref<128x128xf32, #tpu.memory_space<vmem>>) target(%dma_start3A_100 : memref<10240x128xf32, #tpu.memory_space<vmem_shared>>) offsets(%arg12 : memref<128xi32, #tpu.memory_space<vmem>>) semaphore(%run_scoped3A : memref<!tpu.dma_semaphore, #tpu.memory_space<semaphore_mem>>) {add = true}
        %dma_wait3A_101 = arith.constant 0 : i32
        %dma_wait3A_102 = arith.constant 0 : i32
        %dma_wait3A_103 = tpu.memref_slice %arg9[%dma_wait3A_101, %dma_wait3A_102] : memref<10240x128xf32, #tpu.memory_space<vmem_shared>> -> memref<10240x128xf32, #tpu.memory_space<vmem_shared>>
        tpu.wait_indirect_dma semaphore(%run_scoped3A : memref<!tpu.dma_semaphore, #tpu.memory_space<semaphore_mem>>) src(%arg13 : memref<128x128xf32, #tpu.memory_space<vmem>>) dst(%dma_wait3A_103 : memref<10240x128xf32, #tpu.memory_space<vmem_shared>>)
        tpu.yield
      }) : () -> ()
      "tpu.region"() ({
        %run_scoped3A = tpu.sem_alloc : memref<!tpu.dma_semaphore, #tpu.memory_space<semaphore_mem>>
        %dma_start3A_98 = arith.constant 0 : i32
        %dma_start3A_99 = tpu.memref_slice %arg10[%dma_start3A_98] : memref<10240xf32, #tpu.memory_space<vmem_shared>> -> memref<10240xf32, #tpu.memory_space<vmem_shared>>
        tpu.enqueue_indirect_dma source(%arg14 : memref<128xf32, #tpu.memory_space<vmem>>) target(%dma_start3A_99 : memref<10240xf32, #tpu.memory_space<vmem_shared>>) offsets(%arg12 : memref<128xi32, #tpu.memory_space<vmem>>) semaphore(%run_scoped3A : memref<!tpu.dma_semaphore, #tpu.memory_space<semaphore_mem>>) {add = true}
        %dma_wait3A_100 = arith.constant 0 : i32
        %dma_wait3A_101 = tpu.memref_slice %arg10[%dma_wait3A_100] : memref<10240xf32, #tpu.memory_space<vmem_shared>> -> memref<10240xf32, #tpu.memory_space<vmem_shared>>
        tpu.wait_indirect_dma semaphore(%run_scoped3A : memref<!tpu.dma_semaphore, #tpu.memory_space<semaphore_mem>>) src(%arg14 : memref<128xf32, #tpu.memory_space<vmem>>) dst(%dma_wait3A_101 : memref<10240xf32, #tpu.memory_space<vmem_shared>>)
        tpu.yield
      }) : () -> ()
    }
    %scan3A_65 = arith.constant 79 : i32
    %barrier3A_66 = arith.constant 0 : index
    tpu.barrier barrier_id(%barrier3A_66)
    %add3A_67 = arith.constant 0 : i32
    %add3A_68 = arith.addi %mul3A_2, %add3A_67 : i32
    "tpu.region"() ({
      %run_scoped3A = tpu.sem_alloc : memref<!tpu.dma_semaphore, #tpu.memory_space<semaphore_mem>>
      %dma_start3A = arith.constant 0 : i32
      %dma_start3A_90 = tpu.memref_slice %arg9[%add3A_68, %dma_start3A] : memref<10240x128xf32, #tpu.memory_space<vmem_shared>> -> memref<128x128xf32, #tpu.memory_space<vmem_shared>>
      %dma_start3A_91 = arith.constant 0 : i32
      %dma_start3A_92 = tpu.memref_slice %arg9[%add3A_68, %dma_start3A_91] : memref<10240x128xf32, #tpu.memory_space<vmem_shared>> -> memref<128x128xf32, #tpu.memory_space<vmem_shared>>
      tpu.enqueue_dma source(%dma_start3A_92 : memref<128x128xf32, #tpu.memory_space<vmem_shared>>) target(%arg13 : memref<128x128xf32, #tpu.memory_space<vmem>>) target_semaphore(%run_scoped3A : memref<!tpu.dma_semaphore, #tpu.memory_space<semaphore_mem>>)
      %dma_wait3A = arith.constant 0 : i32
      %dma_wait3A_93 = tpu.memref_slice %arg9[%add3A_68, %dma_wait3A] : memref<10240x128xf32, #tpu.memory_space<vmem_shared>> -> memref<128x128xf32, #tpu.memory_space<vmem_shared>>
      %dma_wait3A_94 = arith.constant 0 : i32
      %dma_wait3A_95 = tpu.memref_slice %arg9[%add3A_68, %dma_wait3A_94] : memref<10240x128xf32, #tpu.memory_space<vmem_shared>> -> memref<128x128xf32, #tpu.memory_space<vmem_shared>>
      tpu.wait_dma2 semaphore(%run_scoped3A : memref<!tpu.dma_semaphore, #tpu.memory_space<semaphore_mem>>) src(%dma_wait3A_95 : memref<128x128xf32, #tpu.memory_space<vmem_shared>>) dst(%arg13 : memref<128x128xf32, #tpu.memory_space<vmem>>)
      tpu.yield
    }) : () -> ()
    %add3A_69 = arith.constant 0 : i32
    %add3A_70 = arith.addi %mul3A_2, %add3A_69 : i32
    "tpu.region"() ({
      %run_scoped3A = tpu.sem_alloc : memref<!tpu.dma_semaphore, #tpu.memory_space<semaphore_mem>>
      %dma_start3A = arith.constant 0 : i32
      %dma_start3A_90 = tpu.memref_slice %arg7[%arg0, %add3A_70, %dma_start3A] : memref<2x10240x128xf32, #tpu.memory_space<hbm>> -> memref<1x128x128xf32, #tpu.memory_space<hbm>>
      %dma_start3A_91 = tpu.memref_squeeze %dma_start3A_90 : memref<1x128x128xf32, #tpu.memory_space<hbm>> -> memref<128x128xf32, #tpu.memory_space<hbm>>
      %dma_start3A_92 = arith.constant 0 : i32
      %dma_start3A_93 = tpu.memref_slice %arg7[%arg0, %add3A_70, %dma_start3A_92] : memref<2x10240x128xf32, #tpu.memory_space<hbm>> -> memref<1x128x128xf32, #tpu.memory_space<hbm>>
      %dma_start3A_94 = tpu.memref_squeeze %dma_start3A_93 : memref<1x128x128xf32, #tpu.memory_space<hbm>> -> memref<128x128xf32, #tpu.memory_space<hbm>>
      tpu.enqueue_dma source(%arg13 : memref<128x128xf32, #tpu.memory_space<vmem>>) target(%dma_start3A_94 : memref<128x128xf32, #tpu.memory_space<hbm>>) target_semaphore(%run_scoped3A : memref<!tpu.dma_semaphore, #tpu.memory_space<semaphore_mem>>)
      %dma_wait3A = arith.constant 0 : i32
      %dma_wait3A_95 = tpu.memref_slice %arg7[%arg0, %add3A_70, %dma_wait3A] : memref<2x10240x128xf32, #tpu.memory_space<hbm>> -> memref<1x128x128xf32, #tpu.memory_space<hbm>>
      %dma_wait3A_96 = tpu.memref_squeeze %dma_wait3A_95 : memref<1x128x128xf32, #tpu.memory_space<hbm>> -> memref<128x128xf32, #tpu.memory_space<hbm>>
      %dma_wait3A_97 = arith.constant 0 : i32
      %dma_wait3A_98 = tpu.memref_slice %arg7[%arg0, %add3A_70, %dma_wait3A_97] : memref<2x10240x128xf32, #tpu.memory_space<hbm>> -> memref<1x128x128xf32, #tpu.memory_space<hbm>>
      %dma_wait3A_99 = tpu.memref_squeeze %dma_wait3A_98 : memref<1x128x128xf32, #tpu.memory_space<hbm>> -> memref<128x128xf32, #tpu.memory_space<hbm>>
      tpu.wait_dma2 semaphore(%run_scoped3A : memref<!tpu.dma_semaphore, #tpu.memory_space<semaphore_mem>>) src(%arg13 : memref<128x128xf32, #tpu.memory_space<vmem>>) dst(%dma_wait3A_99 : memref<128x128xf32, #tpu.memory_space<hbm>>)
      tpu.yield
    }) : () -> ()
    %add3A_71 = arith.constant 128 : i32
    %add3A_72 = arith.addi %mul3A_2, %add3A_71 : i32
    "tpu.region"() ({
      %run_scoped3A = tpu.sem_alloc : memref<!tpu.dma_semaphore, #tpu.memory_space<semaphore_mem>>
      %dma_start3A = arith.constant 0 : i32
      %dma_start3A_90 = tpu.memref_slice %arg9[%add3A_72, %dma_start3A] : memref<10240x128xf32, #tpu.memory_space<vmem_shared>> -> memref<128x128xf32, #tpu.memory_space<vmem_shared>>
      %dma_start3A_91 = arith.constant 0 : i32
      %dma_start3A_92 = tpu.memref_slice %arg9[%add3A_72, %dma_start3A_91] : memref<10240x128xf32, #tpu.memory_space<vmem_shared>> -> memref<128x128xf32, #tpu.memory_space<vmem_shared>>
      tpu.enqueue_dma source(%dma_start3A_92 : memref<128x128xf32, #tpu.memory_space<vmem_shared>>) target(%arg13 : memref<128x128xf32, #tpu.memory_space<vmem>>) target_semaphore(%run_scoped3A : memref<!tpu.dma_semaphore, #tpu.memory_space<semaphore_mem>>)
      %dma_wait3A = arith.constant 0 : i32
      %dma_wait3A_93 = tpu.memref_slice %arg9[%add3A_72, %dma_wait3A] : memref<10240x128xf32, #tpu.memory_space<vmem_shared>> -> memref<128x128xf32, #tpu.memory_space<vmem_shared>>
      %dma_wait3A_94 = arith.constant 0 : i32
      %dma_wait3A_95 = tpu.memref_slice %arg9[%add3A_72, %dma_wait3A_94] : memref<10240x128xf32, #tpu.memory_space<vmem_shared>> -> memref<128x128xf32, #tpu.memory_space<vmem_shared>>
      tpu.wait_dma2 semaphore(%run_scoped3A : memref<!tpu.dma_semaphore, #tpu.memory_space<semaphore_mem>>) src(%dma_wait3A_95 : memref<128x128xf32, #tpu.memory_space<vmem_shared>>) dst(%arg13 : memref<128x128xf32, #tpu.memory_space<vmem>>)
      tpu.yield
    }) : () -> ()
    %add3A_73 = arith.constant 128 : i32
    %add3A_74 = arith.addi %mul3A_2, %add3A_73 : i32
    "tpu.region"() ({
      %run_scoped3A = tpu.sem_alloc : memref<!tpu.dma_semaphore, #tpu.memory_space<semaphore_mem>>
      %dma_start3A = arith.constant 0 : i32
      %dma_start3A_90 = tpu.memref_slice %arg7[%arg0, %add3A_74, %dma_start3A] : memref<2x10240x128xf32, #tpu.memory_space<hbm>> -> memref<1x128x128xf32, #tpu.memory_space<hbm>>
      %dma_start3A_91 = tpu.memref_squeeze %dma_start3A_90 : memref<1x128x128xf32, #tpu.memory_space<hbm>> -> memref<128x128xf32, #tpu.memory_space<hbm>>
      %dma_start3A_92 = arith.constant 0 : i32
      %dma_start3A_93 = tpu.memref_slice %arg7[%arg0, %add3A_74, %dma_start3A_92] : memref<2x10240x128xf32, #tpu.memory_space<hbm>> -> memref<1x128x128xf32, #tpu.memory_space<hbm>>
      %dma_start3A_94 = tpu.memref_squeeze %dma_start3A_93 : memref<1x128x128xf32, #tpu.memory_space<hbm>> -> memref<128x128xf32, #tpu.memory_space<hbm>>
      tpu.enqueue_dma source(%arg13 : memref<128x128xf32, #tpu.memory_space<vmem>>) target(%dma_start3A_94 : memref<128x128xf32, #tpu.memory_space<hbm>>) target_semaphore(%run_scoped3A : memref<!tpu.dma_semaphore, #tpu.memory_space<semaphore_mem>>)
      %dma_wait3A = arith.constant 0 : i32
      %dma_wait3A_95 = tpu.memref_slice %arg7[%arg0, %add3A_74, %dma_wait3A] : memref<2x10240x128xf32, #tpu.memory_space<hbm>> -> memref<1x128x128xf32, #tpu.memory_space<hbm>>
      %dma_wait3A_96 = tpu.memref_squeeze %dma_wait3A_95 : memref<1x128x128xf32, #tpu.memory_space<hbm>> -> memref<128x128xf32, #tpu.memory_space<hbm>>
      %dma_wait3A_97 = arith.constant 0 : i32
      %dma_wait3A_98 = tpu.memref_slice %arg7[%arg0, %add3A_74, %dma_wait3A_97] : memref<2x10240x128xf32, #tpu.memory_space<hbm>> -> memref<1x128x128xf32, #tpu.memory_space<hbm>>
      %dma_wait3A_99 = tpu.memref_squeeze %dma_wait3A_98 : memref<1x128x128xf32, #tpu.memory_space<hbm>> -> memref<128x128xf32, #tpu.memory_space<hbm>>
      tpu.wait_dma2 semaphore(%run_scoped3A : memref<!tpu.dma_semaphore, #tpu.memory_space<semaphore_mem>>) src(%arg13 : memref<128x128xf32, #tpu.memory_space<vmem>>) dst(%dma_wait3A_99 : memref<128x128xf32, #tpu.memory_space<hbm>>)
      tpu.yield
    }) : () -> ()
    %add3A_75 = arith.constant 256 : i32
    %add3A_76 = arith.addi %mul3A_2, %add3A_75 : i32
    "tpu.region"() ({
      %run_scoped3A = tpu.sem_alloc : memref<!tpu.dma_semaphore, #tpu.memory_space<semaphore_mem>>
      %dma_start3A = arith.constant 0 : i32
      %dma_start3A_90 = tpu.memref_slice %arg9[%add3A_76, %dma_start3A] : memref<10240x128xf32, #tpu.memory_space<vmem_shared>> -> memref<128x128xf32, #tpu.memory_space<vmem_shared>>
      %dma_start3A_91 = arith.constant 0 : i32
      %dma_start3A_92 = tpu.memref_slice %arg9[%add3A_76, %dma_start3A_91] : memref<10240x128xf32, #tpu.memory_space<vmem_shared>> -> memref<128x128xf32, #tpu.memory_space<vmem_shared>>
      tpu.enqueue_dma source(%dma_start3A_92 : memref<128x128xf32, #tpu.memory_space<vmem_shared>>) target(%arg13 : memref<128x128xf32, #tpu.memory_space<vmem>>) target_semaphore(%run_scoped3A : memref<!tpu.dma_semaphore, #tpu.memory_space<semaphore_mem>>)
      %dma_wait3A = arith.constant 0 : i32
      %dma_wait3A_93 = tpu.memref_slice %arg9[%add3A_76, %dma_wait3A] : memref<10240x128xf32, #tpu.memory_space<vmem_shared>> -> memref<128x128xf32, #tpu.memory_space<vmem_shared>>
      %dma_wait3A_94 = arith.constant 0 : i32
      %dma_wait3A_95 = tpu.memref_slice %arg9[%add3A_76, %dma_wait3A_94] : memref<10240x128xf32, #tpu.memory_space<vmem_shared>> -> memref<128x128xf32, #tpu.memory_space<vmem_shared>>
      tpu.wait_dma2 semaphore(%run_scoped3A : memref<!tpu.dma_semaphore, #tpu.memory_space<semaphore_mem>>) src(%dma_wait3A_95 : memref<128x128xf32, #tpu.memory_space<vmem_shared>>) dst(%arg13 : memref<128x128xf32, #tpu.memory_space<vmem>>)
      tpu.yield
    }) : () -> ()
    %add3A_77 = arith.constant 256 : i32
    %add3A_78 = arith.addi %mul3A_2, %add3A_77 : i32
    "tpu.region"() ({
      %run_scoped3A = tpu.sem_alloc : memref<!tpu.dma_semaphore, #tpu.memory_space<semaphore_mem>>
      %dma_start3A = arith.constant 0 : i32
      %dma_start3A_90 = tpu.memref_slice %arg7[%arg0, %add3A_78, %dma_start3A] : memref<2x10240x128xf32, #tpu.memory_space<hbm>> -> memref<1x128x128xf32, #tpu.memory_space<hbm>>
      %dma_start3A_91 = tpu.memref_squeeze %dma_start3A_90 : memref<1x128x128xf32, #tpu.memory_space<hbm>> -> memref<128x128xf32, #tpu.memory_space<hbm>>
      %dma_start3A_92 = arith.constant 0 : i32
      %dma_start3A_93 = tpu.memref_slice %arg7[%arg0, %add3A_78, %dma_start3A_92] : memref<2x10240x128xf32, #tpu.memory_space<hbm>> -> memref<1x128x128xf32, #tpu.memory_space<hbm>>
      %dma_start3A_94 = tpu.memref_squeeze %dma_start3A_93 : memref<1x128x128xf32, #tpu.memory_space<hbm>> -> memref<128x128xf32, #tpu.memory_space<hbm>>
      tpu.enqueue_dma source(%arg13 : memref<128x128xf32, #tpu.memory_space<vmem>>) target(%dma_start3A_94 : memref<128x128xf32, #tpu.memory_space<hbm>>) target_semaphore(%run_scoped3A : memref<!tpu.dma_semaphore, #tpu.memory_space<semaphore_mem>>)
      %dma_wait3A = arith.constant 0 : i32
      %dma_wait3A_95 = tpu.memref_slice %arg7[%arg0, %add3A_78, %dma_wait3A] : memref<2x10240x128xf32, #tpu.memory_space<hbm>> -> memref<1x128x128xf32, #tpu.memory_space<hbm>>
      %dma_wait3A_96 = tpu.memref_squeeze %dma_wait3A_95 : memref<1x128x128xf32, #tpu.memory_space<hbm>> -> memref<128x128xf32, #tpu.memory_space<hbm>>
      %dma_wait3A_97 = arith.constant 0 : i32
      %dma_wait3A_98 = tpu.memref_slice %arg7[%arg0, %add3A_78, %dma_wait3A_97] : memref<2x10240x128xf32, #tpu.memory_space<hbm>> -> memref<1x128x128xf32, #tpu.memory_space<hbm>>
      %dma_wait3A_99 = tpu.memref_squeeze %dma_wait3A_98 : memref<1x128x128xf32, #tpu.memory_space<hbm>> -> memref<128x128xf32, #tpu.memory_space<hbm>>
      tpu.wait_dma2 semaphore(%run_scoped3A : memref<!tpu.dma_semaphore, #tpu.memory_space<semaphore_mem>>) src(%arg13 : memref<128x128xf32, #tpu.memory_space<vmem>>) dst(%dma_wait3A_99 : memref<128x128xf32, #tpu.memory_space<hbm>>)
      tpu.yield
    }) : () -> ()
    %add3A_79 = arith.constant 384 : i32
    %add3A_80 = arith.addi %mul3A_2, %add3A_79 : i32
    "tpu.region"() ({
      %run_scoped3A = tpu.sem_alloc : memref<!tpu.dma_semaphore, #tpu.memory_space<semaphore_mem>>
      %dma_start3A = arith.constant 0 : i32
      %dma_start3A_90 = tpu.memref_slice %arg9[%add3A_80, %dma_start3A] : memref<10240x128xf32, #tpu.memory_space<vmem_shared>> -> memref<128x128xf32, #tpu.memory_space<vmem_shared>>
      %dma_start3A_91 = arith.constant 0 : i32
      %dma_start3A_92 = tpu.memref_slice %arg9[%add3A_80, %dma_start3A_91] : memref<10240x128xf32, #tpu.memory_space<vmem_shared>> -> memref<128x128xf32, #tpu.memory_space<vmem_shared>>
      tpu.enqueue_dma source(%dma_start3A_92 : memref<128x128xf32, #tpu.memory_space<vmem_shared>>) target(%arg13 : memref<128x128xf32, #tpu.memory_space<vmem>>) target_semaphore(%run_scoped3A : memref<!tpu.dma_semaphore, #tpu.memory_space<semaphore_mem>>)
      %dma_wait3A = arith.constant 0 : i32
      %dma_wait3A_93 = tpu.memref_slice %arg9[%add3A_80, %dma_wait3A] : memref<10240x128xf32, #tpu.memory_space<vmem_shared>> -> memref<128x128xf32, #tpu.memory_space<vmem_shared>>
      %dma_wait3A_94 = arith.constant 0 : i32
      %dma_wait3A_95 = tpu.memref_slice %arg9[%add3A_80, %dma_wait3A_94] : memref<10240x128xf32, #tpu.memory_space<vmem_shared>> -> memref<128x128xf32, #tpu.memory_space<vmem_shared>>
      tpu.wait_dma2 semaphore(%run_scoped3A : memref<!tpu.dma_semaphore, #tpu.memory_space<semaphore_mem>>) src(%dma_wait3A_95 : memref<128x128xf32, #tpu.memory_space<vmem_shared>>) dst(%arg13 : memref<128x128xf32, #tpu.memory_space<vmem>>)
      tpu.yield
    }) : () -> ()
    %add3A_81 = arith.constant 384 : i32
    %add3A_82 = arith.addi %mul3A_2, %add3A_81 : i32
    "tpu.region"() ({
      %run_scoped3A = tpu.sem_alloc : memref<!tpu.dma_semaphore, #tpu.memory_space<semaphore_mem>>
      %dma_start3A = arith.constant 0 : i32
      %dma_start3A_90 = tpu.memref_slice %arg7[%arg0, %add3A_82, %dma_start3A] : memref<2x10240x128xf32, #tpu.memory_space<hbm>> -> memref<1x128x128xf32, #tpu.memory_space<hbm>>
      %dma_start3A_91 = tpu.memref_squeeze %dma_start3A_90 : memref<1x128x128xf32, #tpu.memory_space<hbm>> -> memref<128x128xf32, #tpu.memory_space<hbm>>
      %dma_start3A_92 = arith.constant 0 : i32
      %dma_start3A_93 = tpu.memref_slice %arg7[%arg0, %add3A_82, %dma_start3A_92] : memref<2x10240x128xf32, #tpu.memory_space<hbm>> -> memref<1x128x128xf32, #tpu.memory_space<hbm>>
      %dma_start3A_94 = tpu.memref_squeeze %dma_start3A_93 : memref<1x128x128xf32, #tpu.memory_space<hbm>> -> memref<128x128xf32, #tpu.memory_space<hbm>>
      tpu.enqueue_dma source(%arg13 : memref<128x128xf32, #tpu.memory_space<vmem>>) target(%dma_start3A_94 : memref<128x128xf32, #tpu.memory_space<hbm>>) target_semaphore(%run_scoped3A : memref<!tpu.dma_semaphore, #tpu.memory_space<semaphore_mem>>)
      %dma_wait3A = arith.constant 0 : i32
      %dma_wait3A_95 = tpu.memref_slice %arg7[%arg0, %add3A_82, %dma_wait3A] : memref<2x10240x128xf32, #tpu.memory_space<hbm>> -> memref<1x128x128xf32, #tpu.memory_space<hbm>>
      %dma_wait3A_96 = tpu.memref_squeeze %dma_wait3A_95 : memref<1x128x128xf32, #tpu.memory_space<hbm>> -> memref<128x128xf32, #tpu.memory_space<hbm>>
      %dma_wait3A_97 = arith.constant 0 : i32
      %dma_wait3A_98 = tpu.memref_slice %arg7[%arg0, %add3A_82, %dma_wait3A_97] : memref<2x10240x128xf32, #tpu.memory_space<hbm>> -> memref<1x128x128xf32, #tpu.memory_space<hbm>>
      %dma_wait3A_99 = tpu.memref_squeeze %dma_wait3A_98 : memref<1x128x128xf32, #tpu.memory_space<hbm>> -> memref<128x128xf32, #tpu.memory_space<hbm>>
      tpu.wait_dma2 semaphore(%run_scoped3A : memref<!tpu.dma_semaphore, #tpu.memory_space<semaphore_mem>>) src(%arg13 : memref<128x128xf32, #tpu.memory_space<vmem>>) dst(%dma_wait3A_99 : memref<128x128xf32, #tpu.memory_space<hbm>>)
      tpu.yield
    }) : () -> ()
    %add3A_83 = arith.constant 512 : i32
    %add3A_84 = arith.addi %mul3A_2, %add3A_83 : i32
    "tpu.region"() ({
      %run_scoped3A = tpu.sem_alloc : memref<!tpu.dma_semaphore, #tpu.memory_space<semaphore_mem>>
      %dma_start3A = arith.constant 0 : i32
      %dma_start3A_90 = tpu.memref_slice %arg9[%add3A_84, %dma_start3A] : memref<10240x128xf32, #tpu.memory_space<vmem_shared>> -> memref<128x128xf32, #tpu.memory_space<vmem_shared>>
      %dma_start3A_91 = arith.constant 0 : i32
      %dma_start3A_92 = tpu.memref_slice %arg9[%add3A_84, %dma_start3A_91] : memref<10240x128xf32, #tpu.memory_space<vmem_shared>> -> memref<128x128xf32, #tpu.memory_space<vmem_shared>>
      tpu.enqueue_dma source(%dma_start3A_92 : memref<128x128xf32, #tpu.memory_space<vmem_shared>>) target(%arg13 : memref<128x128xf32, #tpu.memory_space<vmem>>) target_semaphore(%run_scoped3A : memref<!tpu.dma_semaphore, #tpu.memory_space<semaphore_mem>>)
      %dma_wait3A = arith.constant 0 : i32
      %dma_wait3A_93 = tpu.memref_slice %arg9[%add3A_84, %dma_wait3A] : memref<10240x128xf32, #tpu.memory_space<vmem_shared>> -> memref<128x128xf32, #tpu.memory_space<vmem_shared>>
      %dma_wait3A_94 = arith.constant 0 : i32
      %dma_wait3A_95 = tpu.memref_slice %arg9[%add3A_84, %dma_wait3A_94] : memref<10240x128xf32, #tpu.memory_space<vmem_shared>> -> memref<128x128xf32, #tpu.memory_space<vmem_shared>>
      tpu.wait_dma2 semaphore(%run_scoped3A : memref<!tpu.dma_semaphore, #tpu.memory_space<semaphore_mem>>) src(%dma_wait3A_95 : memref<128x128xf32, #tpu.memory_space<vmem_shared>>) dst(%arg13 : memref<128x128xf32, #tpu.memory_space<vmem>>)
      tpu.yield
    }) : () -> ()
    %add3A_85 = arith.constant 512 : i32
    %add3A_86 = arith.addi %mul3A_2, %add3A_85 : i32
    "tpu.region"() ({
      %run_scoped3A = tpu.sem_alloc : memref<!tpu.dma_semaphore, #tpu.memory_space<semaphore_mem>>
      %dma_start3A = arith.constant 0 : i32
      %dma_start3A_90 = tpu.memref_slice %arg7[%arg0, %add3A_86, %dma_start3A] : memref<2x10240x128xf32, #tpu.memory_space<hbm>> -> memref<1x128x128xf32, #tpu.memory_space<hbm>>
      %dma_start3A_91 = tpu.memref_squeeze %dma_start3A_90 : memref<1x128x128xf32, #tpu.memory_space<hbm>> -> memref<128x128xf32, #tpu.memory_space<hbm>>
      %dma_start3A_92 = arith.constant 0 : i32
      %dma_start3A_93 = tpu.memref_slice %arg7[%arg0, %add3A_86, %dma_start3A_92] : memref<2x10240x128xf32, #tpu.memory_space<hbm>> -> memref<1x128x128xf32, #tpu.memory_space<hbm>>
      %dma_start3A_94 = tpu.memref_squeeze %dma_start3A_93 : memref<1x128x128xf32, #tpu.memory_space<hbm>> -> memref<128x128xf32, #tpu.memory_space<hbm>>
      tpu.enqueue_dma source(%arg13 : memref<128x128xf32, #tpu.memory_space<vmem>>) target(%dma_start3A_94 : memref<128x128xf32, #tpu.memory_space<hbm>>) target_semaphore(%run_scoped3A : memref<!tpu.dma_semaphore, #tpu.memory_space<semaphore_mem>>)
      %dma_wait3A = arith.constant 0 : i32
      %dma_wait3A_95 = tpu.memref_slice %arg7[%arg0, %add3A_86, %dma_wait3A] : memref<2x10240x128xf32, #tpu.memory_space<hbm>> -> memref<1x128x128xf32, #tpu.memory_space<hbm>>
      %dma_wait3A_96 = tpu.memref_squeeze %dma_wait3A_95 : memref<1x128x128xf32, #tpu.memory_space<hbm>> -> memref<128x128xf32, #tpu.memory_space<hbm>>
      %dma_wait3A_97 = arith.constant 0 : i32
      %dma_wait3A_98 = tpu.memref_slice %arg7[%arg0, %add3A_86, %dma_wait3A_97] : memref<2x10240x128xf32, #tpu.memory_space<hbm>> -> memref<1x128x128xf32, #tpu.memory_space<hbm>>
      %dma_wait3A_99 = tpu.memref_squeeze %dma_wait3A_98 : memref<1x128x128xf32, #tpu.memory_space<hbm>> -> memref<128x128xf32, #tpu.memory_space<hbm>>
      tpu.wait_dma2 semaphore(%run_scoped3A : memref<!tpu.dma_semaphore, #tpu.memory_space<semaphore_mem>>) src(%arg13 : memref<128x128xf32, #tpu.memory_space<vmem>>) dst(%dma_wait3A_99 : memref<128x128xf32, #tpu.memory_space<hbm>>)
      tpu.yield
    }) : () -> ()
    "tpu.region"() ({
      %run_scoped3A = tpu.sem_alloc : memref<!tpu.dma_semaphore, #tpu.memory_space<semaphore_mem>>
      %dma_start3A = tpu.memref_slice %arg10[%mul3A_2] : memref<10240xf32, #tpu.memory_space<vmem_shared>> -> memref<640xf32, #tpu.memory_space<vmem_shared>>
      %dma_start3A_90 = tpu.memref_slice %arg10[%mul3A_2] : memref<10240xf32, #tpu.memory_space<vmem_shared>> -> memref<640xf32, #tpu.memory_space<vmem_shared>>
      tpu.enqueue_dma source(%dma_start3A_90 : memref<640xf32, #tpu.memory_space<vmem_shared>>) target(%arg15 : memref<640xf32, #tpu.memory_space<vmem>>) target_semaphore(%run_scoped3A : memref<!tpu.dma_semaphore, #tpu.memory_space<semaphore_mem>>)
      %dma_wait3A = tpu.memref_slice %arg10[%mul3A_2] : memref<10240xf32, #tpu.memory_space<vmem_shared>> -> memref<640xf32, #tpu.memory_space<vmem_shared>>
      %dma_wait3A_91 = tpu.memref_slice %arg10[%mul3A_2] : memref<10240xf32, #tpu.memory_space<vmem_shared>> -> memref<640xf32, #tpu.memory_space<vmem_shared>>
      tpu.wait_dma2 semaphore(%run_scoped3A : memref<!tpu.dma_semaphore, #tpu.memory_space<semaphore_mem>>) src(%dma_wait3A_91 : memref<640xf32, #tpu.memory_space<vmem_shared>>) dst(%arg15 : memref<640xf32, #tpu.memory_space<vmem>>)
      tpu.yield
    }) : () -> ()
    %mul3A_87 = arith.constant 10240 : i32
    %mul3A_88 = arith.muli %arg0, %mul3A_87 : i32
    %add3A_89 = arith.addi %mul3A_88, %mul3A_2 : i32
    "tpu.region"() ({
      %run_scoped3A = tpu.sem_alloc : memref<!tpu.dma_semaphore, #tpu.memory_space<semaphore_mem>>
      %dma_start3A = tpu.memref_slice %arg8[%add3A_89] : memref<20480xf32, #tpu.memory_space<hbm>> -> memref<640xf32, #tpu.memory_space<hbm>>
      %dma_start3A_90 = tpu.memref_slice %arg8[%add3A_89] : memref<20480xf32, #tpu.memory_space<hbm>> -> memref<640xf32, #tpu.memory_space<hbm>>
      tpu.enqueue_dma source(%arg15 : memref<640xf32, #tpu.memory_space<vmem>>) target(%dma_start3A_90 : memref<640xf32, #tpu.memory_space<hbm>>) target_semaphore(%run_scoped3A : memref<!tpu.dma_semaphore, #tpu.memory_space<semaphore_mem>>)
      %dma_wait3A = tpu.memref_slice %arg8[%add3A_89] : memref<20480xf32, #tpu.memory_space<hbm>> -> memref<640xf32, #tpu.memory_space<hbm>>
      %dma_wait3A_91 = tpu.memref_slice %arg8[%add3A_89] : memref<20480xf32, #tpu.memory_space<hbm>> -> memref<640xf32, #tpu.memory_space<hbm>>
      tpu.wait_dma2 semaphore(%run_scoped3A : memref<!tpu.dma_semaphore, #tpu.memory_space<semaphore_mem>>) src(%arg15 : memref<640xf32, #tpu.memory_space<vmem>>) dst(%dma_wait3A_91 : memref<640xf32, #tpu.memory_space<hbm>>)
      tpu.yield
    }) : () -> ()
    return
  }
}

module attributes {stable_mosaic.version = 14 : i64} {
  func.func @_tc_layer_body(%arg0: i32, %arg1: memref<2x1000x128xf32, #tpu.memory_space<vmem>>, %arg2: memref<1000x1xf32, #tpu.memory_space<vmem>>, %arg3: memref<1000x128xf32, #tpu.memory_space<vmem>>, %arg4: memref<128x128xf32, #tpu.memory_space<vmem>>, %arg5: memref<1x128xf32, #tpu.memory_space<vmem>>, %arg6: memref<128x128xf32, #tpu.memory_space<vmem>>, %arg7: memref<1000x128xf32, #tpu.memory_space<vmem>>) attributes {dimension_semantics = [#tpu.dimension_semantics<arbitrary>], iteration_bounds = array<i64: 10>, scalar_prefetch = 0 : i64, scratch_operands = 0 : i64, tpu.core_type = #tpu.core_type<tc>, window_params = [{transform_indices = @transform_0, window_bounds = array<i64: 2, 1000, 128>}, {transform_indices = @transform_1, window_bounds = array<i64: 1000, 1>}, {transform_indices = @transform_2, window_bounds = array<i64: 1000, 128>}, {pipeline_mode = #tpu.pipeline_mode<synchronous>, transform_indices = @transform_3, window_bounds = array<i64: 128, 128>}, {pipeline_mode = #tpu.pipeline_mode<synchronous>, transform_indices = @transform_4, window_bounds = array<i64: 1, 128>}, {pipeline_mode = #tpu.pipeline_mode<synchronous>, transform_indices = @transform_5, window_bounds = array<i64: 128, 128>}, {transform_indices = @transform_6, window_bounds = array<i64: 1000, 128>}]} {
    %get3A = arith.constant 0 : index
    %get3A_0 = arith.constant 0 : index
    %get3A_1 = arith.constant 0 : index
    %get3A_2 = vector.load %arg1[%get3A, %get3A_0, %get3A_1] : memref<2x1000x128xf32, #tpu.memory_space<vmem>>, vector<1x1000x128xf32>
    %get3A_3 = vector.shape_cast %get3A_2 : vector<1x1000x128xf32> to vector<1000x128xf32>
    %get3A_4 = arith.constant 1 : index
    %get3A_5 = arith.constant 0 : index
    %get3A_6 = arith.constant 0 : index
    %get3A_7 = vector.load %arg1[%get3A_4, %get3A_5, %get3A_6] : memref<2x1000x128xf32, #tpu.memory_space<vmem>>, vector<1x1000x128xf32>
    %get3A_8 = vector.shape_cast %get3A_7 : vector<1x1000x128xf32> to vector<1000x128xf32>
    %add3A = arith.addf %get3A_3, %get3A_8 : vector<1000x128xf32>
    %get3A_9 = arith.constant 0 : index
    %get3A_10 = arith.constant 0 : index
    %get3A_11 = vector.load %arg2[%get3A_9, %get3A_10] : memref<1000x1xf32, #tpu.memory_space<vmem>>, vector<1000x1xf32>
    %max3A = arith.constant 1.000000e+00 : f32
    %max3A_12 = vector.broadcast %max3A : f32 to vector<1000x1xf32>
    %max3A_13 = arith.maximumf %get3A_11, %max3A_12 : vector<1000x1xf32>
    %div3A = vector.broadcast %max3A_13 : vector<1000x1xf32> to vector<1000x128xf32>
    %div3A_14 = arith.divf %add3A, %div3A : vector<1000x128xf32>
    %get3A_15 = arith.constant 0 : index
    %get3A_16 = arith.constant 0 : index
    %get3A_17 = vector.load %arg4[%get3A_15, %get3A_16] : memref<128x128xf32, #tpu.memory_space<vmem>>, vector<128x128xf32>
    %dot_general3A = arith.constant dense<0.000000e+00> : vector<1000x128xf32>
    %dot_general3A_18 = tpu.matmul %div3A_14, %get3A_17, %dot_general3A {dimension_numbers = #tpu.dot_dimension_numbers<[1], [0], [0], [1], [0, 0, 1, 1], [], []>, transpose_lhs_hint = false} : vector<1000x128xf32>, vector<128x128xf32>, vector<1000x128xf32> -> vector<1000x128xf32>
    %get3A_19 = arith.constant 0 : index
    %get3A_20 = arith.constant 0 : index
    %get3A_21 = vector.load %arg5[%get3A_19, %get3A_20] : memref<1x128xf32, #tpu.memory_space<vmem>>, vector<1x128xf32>
    %add3A_22 = vector.broadcast %get3A_21 : vector<1x128xf32> to vector<1000x128xf32>
    %add3A_23 = arith.addf %dot_general3A_18, %add3A_22 : vector<1000x128xf32>
    %get3A_24 = arith.constant 0 : index
    %get3A_25 = arith.constant 0 : index
    %get3A_26 = vector.load %arg3[%get3A_24, %get3A_25] : memref<1000x128xf32, #tpu.memory_space<vmem>>, vector<1000x128xf32>
    %get3A_27 = arith.constant 0 : index
    %get3A_28 = arith.constant 0 : index
    %get3A_29 = vector.load %arg6[%get3A_27, %get3A_28] : memref<128x128xf32, #tpu.memory_space<vmem>>, vector<128x128xf32>
    %dot_general3A_30 = arith.constant dense<0.000000e+00> : vector<1000x128xf32>
    %dot_general3A_31 = tpu.matmul %get3A_26, %get3A_29, %dot_general3A_30 {dimension_numbers = #tpu.dot_dimension_numbers<[1], [0], [0], [1], [0, 0, 1, 1], [], []>, transpose_lhs_hint = false} : vector<1000x128xf32>, vector<128x128xf32>, vector<1000x128xf32> -> vector<1000x128xf32>
    %add3A_32 = arith.addf %add3A_23, %dot_general3A_31 : vector<1000x128xf32>
    %max3A_33 = arith.constant 0.000000e+00 : f32
    %max3A_34 = vector.broadcast %max3A_33 : f32 to vector<1000x128xf32>
    %max3A_35 = arith.maximumf %add3A_32, %max3A_34 : vector<1000x128xf32>
    %swap3A = arith.constant 0 : index
    %swap3A_36 = arith.constant 0 : index
    %swap3A_37 = vector.load %arg7[%swap3A, %swap3A_36] : memref<1000x128xf32, #tpu.memory_space<vmem>>, vector<1000x128xf32>
    tpu.vector_store %arg7[%swap3A, %swap3A_36], %max3A_35 {strides = array<i32>} : memref<1000x128xf32, #tpu.memory_space<vmem>>, vector<1000x128xf32>,
    return
  }
  func.func @transform_0(%arg0: i32) -> (i32, i32, i32) {
    %c0_i32 = arith.constant 0 : i32
    %c0_i32_0 = arith.constant 0 : i32
    %c0_i32_1 = arith.constant 0 : i32
    return %c0_i32, %arg0, %c0_i32_0 : i32, i32, i32
  }
  func.func @transform_1(%arg0: i32) -> (i32, i32) {
    %c0_i32 = arith.constant 0 : i32
    %c0_i32_0 = arith.constant 0 : i32
    return %arg0, %c0_i32 : i32, i32
  }
  func.func @transform_2(%arg0: i32) -> (i32, i32) {
    %c0_i32 = arith.constant 0 : i32
    %c0_i32_0 = arith.constant 0 : i32
    return %arg0, %c0_i32 : i32, i32
  }
  func.func @transform_3(%arg0: i32) -> (i32, i32) {
    %c0_i32 = arith.constant 0 : i32
    %c0_i32_0 = arith.constant 0 : i32
    %c0_i32_1 = arith.constant 0 : i32
    return %c0_i32, %c0_i32_0 : i32, i32
  }
  func.func @transform_4(%arg0: i32) -> (i32, i32) {
    %c0_i32 = arith.constant 0 : i32
    %c0_i32_0 = arith.constant 0 : i32
    %c0_i32_1 = arith.constant 0 : i32
    return %c0_i32, %c0_i32_0 : i32, i32
  }
  func.func @transform_5(%arg0: i32) -> (i32, i32) {
    %c0_i32 = arith.constant 0 : i32
    %c0_i32_0 = arith.constant 0 : i32
    %c0_i32_1 = arith.constant 0 : i32
    return %c0_i32, %c0_i32_0 : i32, i32
  }
  func.func @transform_6(%arg0: i32) -> (i32, i32) {
    %c0_i32 = arith.constant 0 : i32
    %c0_i32_0 = arith.constant 0 : i32
    return %arg0, %c0_i32 : i32, i32
  }
}

module attributes {stable_mosaic.version = 14 : i64} {
  func.func @_tc_layer_body(%arg0: i32, %arg1: memref<2x1000x128xf32, #tpu.memory_space<vmem>>, %arg2: memref<1000x1xf32, #tpu.memory_space<vmem>>, %arg3: memref<1000x128xf32, #tpu.memory_space<vmem>>, %arg4: memref<128x128xf32, #tpu.memory_space<vmem>>, %arg5: memref<1x128xf32, #tpu.memory_space<vmem>>, %arg6: memref<128x128xf32, #tpu.memory_space<vmem>>, %arg7: memref<1000x128xf32, #tpu.memory_space<vmem>>) attributes {dimension_semantics = [#tpu.dimension_semantics<arbitrary>], iteration_bounds = array<i64: 10>, scalar_prefetch = 0 : i64, scratch_operands = 0 : i64, tpu.core_type = #tpu.core_type<tc>, window_params = [{transform_indices = @transform_0, window_bounds = array<i64: 2, 1000, 128>}, {transform_indices = @transform_1, window_bounds = array<i64: 1000, 1>}, {transform_indices = @transform_2, window_bounds = array<i64: 1000, 128>}, {pipeline_mode = #tpu.pipeline_mode<synchronous>, transform_indices = @transform_3, window_bounds = array<i64: 128, 128>}, {pipeline_mode = #tpu.pipeline_mode<synchronous>, transform_indices = @transform_4, window_bounds = array<i64: 1, 128>}, {pipeline_mode = #tpu.pipeline_mode<synchronous>, transform_indices = @transform_5, window_bounds = array<i64: 128, 128>}, {transform_indices = @transform_6, window_bounds = array<i64: 1000, 128>}]} {
    %get3A = arith.constant 0 : index
    %get3A_0 = arith.constant 0 : index
    %get3A_1 = arith.constant 0 : index
    %get3A_2 = vector.load %arg1[%get3A, %get3A_0, %get3A_1] : memref<2x1000x128xf32, #tpu.memory_space<vmem>>, vector<1x1000x128xf32>
    %get3A_3 = vector.shape_cast %get3A_2 : vector<1x1000x128xf32> to vector<1000x128xf32>
    %get3A_4 = arith.constant 1 : index
    %get3A_5 = arith.constant 0 : index
    %get3A_6 = arith.constant 0 : index
    %get3A_7 = vector.load %arg1[%get3A_4, %get3A_5, %get3A_6] : memref<2x1000x128xf32, #tpu.memory_space<vmem>>, vector<1x1000x128xf32>
    %get3A_8 = vector.shape_cast %get3A_7 : vector<1x1000x128xf32> to vector<1000x128xf32>
    %add3A = arith.addf %get3A_3, %get3A_8 : vector<1000x128xf32>
    %get3A_9 = arith.constant 0 : index
    %get3A_10 = arith.constant 0 : index
    %get3A_11 = vector.load %arg2[%get3A_9, %get3A_10] : memref<1000x1xf32, #tpu.memory_space<vmem>>, vector<1000x1xf32>
    %max3A = arith.constant 1.000000e+00 : f32
    %max3A_12 = vector.broadcast %max3A : f32 to vector<1000x1xf32>
    %max3A_13 = arith.maximumf %get3A_11, %max3A_12 : vector<1000x1xf32>
    %div3A = vector.broadcast %max3A_13 : vector<1000x1xf32> to vector<1000x128xf32>
    %div3A_14 = arith.divf %add3A, %div3A : vector<1000x128xf32>
    %get3A_15 = arith.constant 0 : index
    %get3A_16 = arith.constant 0 : index
    %get3A_17 = vector.load %arg4[%get3A_15, %get3A_16] : memref<128x128xf32, #tpu.memory_space<vmem>>, vector<128x128xf32>
    %dot_general3A = arith.constant dense<0.000000e+00> : vector<1000x128xf32>
    %dot_general3A_18 = tpu.matmul %div3A_14, %get3A_17, %dot_general3A {dimension_numbers = #tpu.dot_dimension_numbers<[1], [0], [0], [1], [0, 0, 1, 1], [], []>, transpose_lhs_hint = false} : vector<1000x128xf32>, vector<128x128xf32>, vector<1000x128xf32> -> vector<1000x128xf32>
    %get3A_19 = arith.constant 0 : index
    %get3A_20 = arith.constant 0 : index
    %get3A_21 = vector.load %arg5[%get3A_19, %get3A_20] : memref<1x128xf32, #tpu.memory_space<vmem>>, vector<1x128xf32>
    %add3A_22 = vector.broadcast %get3A_21 : vector<1x128xf32> to vector<1000x128xf32>
    %add3A_23 = arith.addf %dot_general3A_18, %add3A_22 : vector<1000x128xf32>
    %get3A_24 = arith.constant 0 : index
    %get3A_25 = arith.constant 0 : index
    %get3A_26 = vector.load %arg3[%get3A_24, %get3A_25] : memref<1000x128xf32, #tpu.memory_space<vmem>>, vector<1000x128xf32>
    %get3A_27 = arith.constant 0 : index
    %get3A_28 = arith.constant 0 : index
    %get3A_29 = vector.load %arg6[%get3A_27, %get3A_28] : memref<128x128xf32, #tpu.memory_space<vmem>>, vector<128x128xf32>
    %dot_general3A_30 = arith.constant dense<0.000000e+00> : vector<1000x128xf32>
    %dot_general3A_31 = tpu.matmul %get3A_26, %get3A_29, %dot_general3A_30 {dimension_numbers = #tpu.dot_dimension_numbers<[1], [0], [0], [1], [0, 0, 1, 1], [], []>, transpose_lhs_hint = false} : vector<1000x128xf32>, vector<128x128xf32>, vector<1000x128xf32> -> vector<1000x128xf32>
    %add3A_32 = arith.addf %add3A_23, %dot_general3A_31 : vector<1000x128xf32>
    %max3A_33 = arith.constant 0.000000e+00 : f32
    %max3A_34 = vector.broadcast %max3A_33 : f32 to vector<1000x128xf32>
    %max3A_35 = arith.maximumf %add3A_32, %max3A_34 : vector<1000x128xf32>
    %swap3A = arith.constant 0 : index
    %swap3A_36 = arith.constant 0 : index
    %swap3A_37 = vector.load %arg7[%swap3A, %swap3A_36] : memref<1000x128xf32, #tpu.memory_space<vmem>>, vector<1000x128xf32>
    tpu.vector_store %arg7[%swap3A, %swap3A_36], %max3A_35 {strides = array<i32>} : memref<1000x128xf32, #tpu.memory_space<vmem>>, vector<1000x128xf32>,
    return
  }
  func.func @transform_0(%arg0: i32) -> (i32, i32, i32) {
    %c0_i32 = arith.constant 0 : i32
    %c0_i32_0 = arith.constant 0 : i32
    %c0_i32_1 = arith.constant 0 : i32
    return %c0_i32, %arg0, %c0_i32_0 : i32, i32, i32
  }
  func.func @transform_1(%arg0: i32) -> (i32, i32) {
    %c0_i32 = arith.constant 0 : i32
    %c0_i32_0 = arith.constant 0 : i32
    return %arg0, %c0_i32 : i32, i32
  }
  func.func @transform_2(%arg0: i32) -> (i32, i32) {
    %c0_i32 = arith.constant 0 : i32
    %c0_i32_0 = arith.constant 0 : i32
    return %arg0, %c0_i32 : i32, i32
  }
  func.func @transform_3(%arg0: i32) -> (i32, i32) {
    %c0_i32 = arith.constant 0 : i32
    %c0_i32_0 = arith.constant 0 : i32
    %c0_i32_1 = arith.constant 0 : i32
    return %c0_i32, %c0_i32_0 : i32, i32
  }
  func.func @transform_4(%arg0: i32) -> (i32, i32) {
    %c0_i32 = arith.constant 0 : i32
    %c0_i32_0 = arith.constant 0 : i32
    %c0_i32_1 = arith.constant 0 : i32
    return %c0_i32, %c0_i32_0 : i32, i32
  }
  func.func @transform_5(%arg0: i32) -> (i32, i32) {
    %c0_i32 = arith.constant 0 : i32
    %c0_i32_0 = arith.constant 0 : i32
    %c0_i32_1 = arith.constant 0 : i32
    return %c0_i32, %c0_i32_0 : i32, i32
  }
  func.func @transform_6(%arg0: i32) -> (i32, i32) {
    %c0_i32 = arith.constant 0 : i32
    %c0_i32_0 = arith.constant 0 : i32
    return %arg0, %c0_i32 : i32, i32
  }
}

</mosaic_0001>

<sc_bundles>
// kernel: kernel.6.cloned.1.call-start
scs
__scs_entry_jumppad:
0x0: {  	(pc) =	sbr.rel $0x88, $3  }
0x1: {  	(tag) =	ssettag $0x0;
	lr =	simm.s32 $0x1  }
0x2: {  	[smem:$0x3F99] =	sst lr;
	_ =	strace $0xD0000000  }
0x3: {  	_ = 	snop  }
0x4: {  	_ = 	snop  }
0x5: {  	_ = 	snop  }
0x6: {  	_ = 	snop  }
0x7: {  	_ = 	snop  }
__scs_overlays_trampoline_lowered:
0x8: {  	[smem:$0x3FA8] =	sst s0  }
0x9: {  	[smem:$0x3FA9] =	sst s1  }
0xa: {  	[smem:$0x3FAA] =	sst s2  }
0xb: {  	[smem:$0x3FAB] =	sst s3  }
0xc: {  	[smem:$0x3FAC] =	sst s4  }
0xd: {  	[smem:$0x3FAD] =	sst s5  }
0xe: {  	[smem:$0x3FAE] =	sst s6  }
0xf: {  	[smem:$0x3FAF] =	sst s7  }
0x10: {  	[smem:$0x3FB0] =	sst s8  }
0x11: {  	[smem:$0x3FB1] =	sst s9;
	s0 =	simm.s32 @!p0 $0x0  }
0x12: {  	s1 =	sld [smem:$0x3F97];
	s0 =	simm.s32 @p0 $0x1  }
0x13: {  	[smem:$0x3FB2] =	sst s0;
	s0 =	simm.s32 @!p1 $0x0  }
0x14: {  	s2 =	sld [smem:$0x3F96];
	s0 =	simm.s32 @p1 $0x1  }
0x15: {  	[smem:$0x3FB3] =	sst s0;
	s0 =	simm.s32 @!p2 $0x0  }
0x16: {  	s3 =	sld [smem:$0x3FDB];
	s0 =	simm.s32 @p2 $0x1  }
0x17: {  	s4 =	simm.s32 $0x1BF5;
	[smem:$0x3FB5] =	sst s0  }
0x18: {  	s0 =	sld [smem:$0x3F98];
	_ =	swait.ge [sflag:s4], $0x0  }
0x19: {  	s7 =	sld [smem:$0x3F99]  }
0x1a: {  	s8 =	sadd.s32 $0xFFFFE003, lr  }
0x1b: {  	s9 =	sadd.s32 $0xFFFFFEF7, lr;
	s5 =	simm.s32 $0xFFFFFFFF;
	p2 =	slt.u32 s8, $0xFFFFF086  }
0x1c: {  	p1 =	slt.u32 s9, $0xF7A;
	s5 =	simm.s32 @!p2 $0x0  }
0x1d: {  	s5 =	simm.s32 @p1 $0x1;
	p0 =	seq.s32 s7, s2  }
0x1e: {  	s7 =	smul.u32 @!p0 $0xF7A, s2;
	p2 =	seq.s32 @!p0 s5, $0x0  }
0x1f: {  	s9 =	smul.u32 $0xF7A, s1;
	s8 =	simm.s32 @!p0 $0x1BF5;
	p2 =	por !p2, p0  }
0x20: {  	[sflag:s8] =	ssyncset.s32 @!p0 $0xFFFFF086;
	s6 =	sadd.s32 @!p0 s3, s7;
	s7 =	simm.s32 @!p0 $0x108  }
0x21: {  	s3 =	sadd.s32 s3, s9;
	s6 =	sadd.s32 @!p0 $0x88, s6;
	s7 =	simm.s32 @p2 $0x1082  }
0x22: {  	[simem:s7], [sflag:s8] =	dma.local @!p0 [hbm:s6], $0xF7A  }
0x23: {  	s9 =	sor.u32 $0xD0000000, s2;
	s6 =	simm.s32 $0x108;
	_ =	swait.ge @!p0 [sflag:s8], $0x0  }
0x24: {  	s3 =	sadd.s32 $0x88, s3;
	s6 =	simm.s32 @!p1 $0x1082;
	[sflag:s4] =	ssyncset.s32 $0xFFFFF086  }
0x25: {  	[simem:s6], [sflag:s4] =	dma.local [hbm:s3], $0xF7A  }
0x26: {  	[smem:$0x3F99] =	sst s1;
	(tag) =	ssettag s2;
	_ =	strace s9  }
0x27: {  	s1 =	sld [smem:$0x3FA9]  }
0x28: {  	s2 =	sld [smem:$0x3FAA]  }
0x29: {  	s4 =	sld [smem:$0x3FAC]  }
0x2a: {  	p0 =	seq.s32 s5, $0x0;
	s5 =	sld [smem:$0x3FAD]  }
0x2b: {  	s6 =	sld [smem:$0x3FAE]  }
0x2c: {  	s7 =	sld [smem:$0x3FAF]  }
0x2d: {  	s3 =	simm.s32 $0x108;
	s8 =	sld [smem:$0x3FB0]  }
0x2e: {  	s3 =	simm.s32 @!p0 $0x1082;
	s9 =	sld [smem:$0x3FB1]  }
0x2f: {  	lr =	sadd.s32 s0, s3;
	s0 =	sld [smem:$0x3FA8]  }
0x30: {  	s3 =	sld [smem:$0x3FAB]  }
0x31: {  	[smem:$0x3FB4] =	sst s10  }
0x32: {  	s10 =	sld [smem:$0x3FB2];
	_ =	sdelay $0x3  }
0x33: {  	p0 =	seq.s32 s10, $0x1;
	s10 =	sld [smem:$0x3FB4];
	_ =	sdelay $0x3  }
0x34: {  	[smem:$0x3FB4] =	sst s10  }
0x35: {  	s10 =	sld [smem:$0x3FB3];
	_ =	sdelay $0x3  }
0x36: {  	p1 =	seq.s32 s10, $0x1;
	s10 =	sld [smem:$0x3FB4];
	_ =	sdelay $0x3  }
0x37: {  	[smem:$0x3FB4] =	sst s10  }
0x38: {  	s10 =	sld [smem:$0x3FB5]  }
0x39: {  	_ = 	snop;
	(pc) =	sbr.ind lr, $3  }
0x3a: {  	_ = 	snop  }
0x3b: {  	_ = 	snop  }
0x3c: {  	p2 =	seq.s32 s10, $0x1;
	s10 =	sld [smem:$0x3FB4]  }
0x3d: {  	_ =	shalt  }
0x3e: {  	_ =	shalt  }
0x3f: {  	_ =	shalt  }
0x40: {  	_ =	shalt  }
0x41: {  	_ =	shalt  }
0x42: {  	_ =	shalt  }
0x43: {  	_ =	shalt  }
0x44: {  	_ =	shalt  }
0x45: {  	_ =	shalt  }
0x46: {  	_ =	shalt  }
0x47: {  	_ =	shalt  }
0x48: {  	_ =	shalt  }
0x49: {  	_ =	shalt  }
0x4a: {  	_ =	shalt  }
0x4b: {  	_ =	shalt  }
0x4c: {  	_ =	shalt  }
0x4d: {  	_ =	shalt  }
0x4e: {  	_ =	shalt  }
0x4f: {  	_ =	shalt  }
0x50: {  	_ =	shalt  }
0x51: {  	_ =	shalt  }
0x52: {  	_ =	shalt  }
0x53: {  	_ =	shalt  }
0x54: {  	_ =	shalt  }
0x55: {  	_ =	shalt  }
0x56: {  	_ =	shalt  }
0x57: {  	_ =	shalt  }
0x58: {  	_ =	shalt  }
0x59: {  	_ =	shalt  }
0x5a: {  	_ =	shalt  }
0x5b: {  	_ =	shalt  }
0x5c: {  	_ =	shalt  }
0x5d: {  	_ =	shalt  }
0x5e: {  	_ =	shalt  }
0x5f: {  	_ =	shalt  }
0x60: {  	_ =	shalt  }
0x61: {  	_ =	shalt  }
0x62: {  	_ =	shalt  }
0x63: {  	_ =	shalt  }
0x64: {  	_ =	shalt  }
0x65: {  	_ =	shalt  }
0x66: {  	_ =	shalt  }
0x67: {  	_ =	shalt  }
0x68: {  	_ =	shalt  }
0x69: {  	_ =	shalt  }
0x6a: {  	_ =	shalt  }
0x6b: {  	_ =	shalt  }
0x6c: {  	_ =	shalt  }
0x6d: {  	_ =	shalt  }
0x6e: {  	_ =	shalt  }
0x6f: {  	_ =	shalt  }
0x70: {  	_ =	shalt  }
0x71: {  	_ =	shalt  }
0x72: {  	_ =	shalt  }
0x73: {  	_ =	shalt  }
0x74: {  	_ =	shalt  }
0x75: {  	_ =	shalt  }
0x76: {  	_ =	shalt  }
0x77: {  	_ =	shalt  }
0x78: {  	_ =	shalt  }
0x79: {  	_ =	shalt  }
0x7a: {  	_ =	shalt  }
0x7b: {  	_ =	shalt  }
0x7c: {  	_ =	shalt  }
0x7d: {  	_ =	shalt  }
0x7e: {  	_ =	shalt  }
0x7f: {  	_ =	shalt  }
0x80: {  	_ =	shalt  }
0x81: {  	_ =	shalt  }
0x82: {  	_ =	shalt  }
0x83: {  	_ =	shalt  }
0x84: {  	_ =	shalt  }
0x85: {  	_ =	shalt  }
0x86: {  	_ =	shalt  }
0x87: {  	_ =	shalt  }
.Lfunc_end0:
.L_simem_size_0:
called_computation_lowered:
.L_overlay_start_0:
0x88: {  	s2 =	sld [smem:$0x3FD9]  }
0x89: {  	s3 =	sld [smem:$0x3FFE];
	_ =	sdelay $0x1  }
0x8a: {  	s1 =	srdreg.scid  }
0x8b: {  	s0 =	sand.u32 $0x1, s1  }
0x8c: {  	s17 =	sshll.u32 s0, $0xA;
	s2 =	sadd.s32 s3, s2  }
0x8d: {  	s2 =	sadd.s32 s2, s17  }
0x8e: {  	[smem:$0x3FC0] =	sst s2  }
0x8f: {  	_ = 	snop  }
0x90: {  	s2 =	sld [smem:$0x3FC9]  }
0x91: {  	s18 =	sld [smem:$0x3FD0];
	(tm) =	ssettm $0x1  }
0x92: {  	s4 =	sld [smem:$0x3FFB];
	_ =	sdelay $0x3  }
0x93: {  	_ =	strace s4  }
0x94: {  	s4 =	sld [smem:$0x3FFC];
	_ =	sdelay $0x3  }
0x95: {  	_ =	strace s4  }
0x96: {  	s4 =	sld [smem:$0x3FFD];
	_ =	sdelay $0x3  }
0x97: {  	_ =	strace s4  }
0x98: {  	_ =	strace $0x8FFFFFFF  }
0x99: {  	s19 =	sld [smem:$0x3FDB];
	_ =	sdelay $0x1  }
0x9a: {  	s5 =	simm.s32 $_scs_section_size  }
0x9b: {  	s6 =	simm.s32 $_size__tile_overlayer_lowered;
	s7 =	simm.s32 $_tile_overlayer_lowered  }
0x9c: {  	s22 =	simm.s32 $0x1BFF;
	s21 =	sshll.u32 s7, $0x1;
	s4 =	sadd.s32 s5, s19  }
0x9d: {  	s8 =	simm.s32 $0x0;
	s20 =	sshll.u32 s6, $0x1;
	s6 =	sadd.s32 s21, s4  }
0x9e: {  	[timem:s8], [sflag:s22] =	dma.local [hbm:s6], s20  }
0x9f: {  	_ =	swait.ge [sflag:s22], s20  }
0xa0: {  	s5 =	ssub.s32 $0x0, s20;
	[sflag:s22] =	ssyncset.done $0x0  }
0xa1: {  	[sflag:s22] =	ssyncadd.s32 s5;
	_ =	sdelay $0x1  }
0xa2: {  	s23 =	simm.s32 $0x1B8B  }
0xa3: {  	_ =	swait.ge [sflag:s23], $0x1  }
0xa4: {  	[sflag:s23] =	ssyncset.done $0x0  }
0xa5: {  	s25 =	simm.s32 $0x1B8E;
	s24 =	sld [smem:$0x3FFE];
	[sflag:s23] =	ssyncadd.s32 $0xFFFFFFFF  }
0xa6: {  	s26 =	simm.s32 $execute0_lowered;
	[smem:$0x3FD2] =	sst s25  }
0xa7: {  	s6 =	sshll.u32 s26, $0x1;
	_ =	strace $0x80000046;
	[dreg:$0x1] =	wrdreg $0xFFFFFFFF  }
0xa8: {  	s28 =	simm.s32 $_size_execute0_lowered;
	s4 =	sadd.s32 s4, s6;
	[dreg:$0x0] =	wrdreg $0x0  }
0xa9: {  	s6 =	sshll.u32 s28, $0x1;
	[dreg:$0x2] =	wrdreg s4  }
0xaa: {  	[dreg:$0x3] =	wrdreg s6  }
0xab: {  	[dreg:$0x4] =	wrdreg $0xC0  }
0xac: {  	_ =	task [dreg:s8], $0x5FFFF  }
0xad: {  	[dreg:$0x1] =	wrdreg $0xFFFFFFFF  }
0xae: {  	[dreg:$0x0] =	wrdreg $0x60  }
0xaf: {  	[dreg:$0x2] =	wrdreg s2  }
0xb0: {  	[dreg:$0x3] =	wrdreg s24  }
0xb1: {  	[dreg:$0x4] =	wrdreg s18  }
0xb2: {  	[dreg:$0x5] =	wrdreg $0x0  }
0xb3: {  	[dreg:$0x6] =	wrdreg $0x140000  }
0xb4: {  	[dreg:$0x7] =	wrdreg $0x9  }
0xb5: {  	_ =	task.clear_ibuf [dreg:s8], $0x8FFFF;
	_ =	strace $0x90000046  }
0xb6: {  	s29 =	simm.s32 $0x9;
	_ =	strace $0x80000048  }
0xb7: {  	_ =	swait.ge [sflag:s29], $0x1  }
0xb8: {  	[sflag:s29] =	ssyncadd.s32 $0xFFFFFFFF  }
0xb9: {  	_ =	strace $0x90000048  }
0xba: {  	_ =	sfence  }
0xbb: {  	s30 =	sld [smem:$0x0];
	_ =	sdelay $0x2  }
0xbc: {  	s31 =	sshll.u32 s1, $0xD;
	s1 =	sshrl.u32 s1, $0x2  }
0xbd: {  	s3 =	sand.u32 $0x4000, s31;
	s1 =	sadd.s32 s1, s30  }
0xbe: {  	s0 =	sor.u32 s3, s0;
	s1 =	sshll.u32 s1, $0x11  }
0xbf: {  	s0 =	sor.u32 s1, s0  }
0xc0: {  	s0 =	sadd.s32 $0x8F2B, s0  }
0xc1: {  	[sflag:s0] =	ssyncadd.remote.s32 $0x1  }
0xc2: {  	_ =	sfence.sel $0xFFFF  }
0xc3: {  	[dreg:$0x0] =	wrdreg $0xFFFFFFFF;
	(pc) =	sbr.abs _section_cstart, $3  }
0xc4: {  	[dreg:$0x1] =	wrdreg $0xFFFFFFFF  }
0xc5: {  	_ =	task.clear_ibuf [dreg:s8], $0x2FFFF;
	_ =	strace $0x9FFFFFFF  }
0xc6: {  	(tm) =	ssettm $0x7FFFFFFF  }
0xc7: {  	_ =	shalt  }
tec
execute0_lowered:
.L_overlay_start_1:
0x0: {  	(tag) =	ssettag $0x1  }
0x1: {  	s1 =	rddreg [dreg:$0x0]  }
0x2: {  	s0 =	rddreg [dreg:$0x1]  }
0x3: {  	s2 =	rddreg [dreg:$0x2]  }
0x4: {  	s3 =	rddreg [dreg:$0x3]  }
0x5: {  	s4 =	rddreg [dreg:$0x4]  }
0x6: {  	s13 =	stileid.u32;
	s5 =	simm.s32 $0x0;
	s7 =	srdreg.scid  }
0x7: {  	s28 =	simm.s32 $0x14300;
	s29 =	simm.s32 $0x80;
	s6 =	smul.u32 $0x9E0, s13  }
0x8: {  	s30 =	simm.s32 $0x1;
	s31 =	simm.s32 $0x18380;
	s17 =	smul.u32 $0x280, s13  }
0x9: {  	[smem:$0x7FF] =	sst s5;
	s8 =	sadd.s32 $0x16400, s0;
	s26 =	smul.u32 $0x50000, s13  }
0xa: {  	s18 =	sand.u32 $0x1, s7;
	s22 =	smul.u32 $0x14000, s13;
	_ =	strace $0x80000047  }
0xb: {  	[dreg:$0x6] =	wrdreg s8;
	s7 =	ssub.s32 $0x2, s18;
	s19 =	smul.u32 $0x140000, s18  }
0xc: {  	s6 =	sadd.s32 s6, s0;
	s25 =	sshrl.u32 s17, $0x3;
	s9 =	sshrl.u32 s7, $0x1  }
0xd: {  	s11 =	sshll.u32 s17, $0x7;
	s10 =	sshrl.u32 s26, $0x2;
	s13 =	sadd.s32 s17, s4  }
0xe: {  	s12 =	sadd.s32 s25, s0;
	s0 =	sadd.s32 $0x3E400, s0;
	s20 =	ssub.s32 s7, s9  }
0xf: {  	s14 =	sadd.s32 $0x4000, s11;
	s7 =	sadd.s32 s10, s3;
	s15 =	sadd.s32 $0x8000, s11  }
0x10: {  	s16 =	sadd.s32 $0xC000, s11;
	s21 =	sadd.s32 $0x10000, s11;
	s22 =	sadd.s32 s22, s19  }
0x11: {  	s8 =	sadd.s32 s14, s3;
	s9 =	sadd.s32 s15, s3;
	s10 =	sadd.s32 s16, s3  }
0x12: {  	s11 =	sadd.s32 s21, s3;
	s12 =	sadd.s32 $0x15E00, s12;
	s14 =	sadd.s32 s19, s14  }
0x13: {  	s15 =	sadd.s32 s19, s15;
	s22 =	sshrl.u32 s22, $0x3;
	s25 =	sadd.s32 s19, s16  }
0x14: {  	s19 =	sadd.s32 s19, s21;
	s20 =	smax.u32 s20, $0x1;
	[dreg:$0x7] =	wrdreg s12  }
0x15: {  	s23 =	sshrl.u32 s14, $0x3;
	s24 =	sshrl.u32 s15, $0x3;
	s22 =	sadd.s32 s0, s22  }
0x16: {  	s15 =	smul.u32 $0x2800, s18;
	s14 =	sshrl.u32 s25, $0x3;
	[dreg:$0x8] =	wrdreg s22  }
0x17: {  	s26 =	sadd.s32 s0, s23;
	s16 =	sadd.s32 s0, s24;
	s24 =	sshrl.u32 s19, $0x3  }
0x18: {  	s23 =	simm.s32 $0x14380;
	[dreg:$0x9] =	wrdreg s26;
	s21 =	sadd.s32 s17, s15  }
0x19: {  	s15 =	smul.u32 $0x4F0, s18;
	s17 =	sadd.s32 s0, s14;
	s18 =	sadd.s32 s0, s24  }
0x1a: {  	s24 =	simm.s32 $0x2;
	s0 =	simm.s32 $0x0;
	s25 =	sshrl.u32 s21, $0x3  }
0x1b: {  	s19 =	sadd.s32 s2, s25;
	s26 =	sadd.s32 s15, s6;
	s25 =	simm.s32 $0x18400  }
0x1c: {  	v0 =	vimm.f32 $1.000000000e+00;
	s21 =	sadd.s32 $0x2200, s26;
	s22 =	sadd.s32 $0xC000, s26;
	s26 =	simm.s32 $0x14280  }
.LBB2_1:
0x1d: {  	s2 =	rddreg [dreg:$0x6]  }
0x1e: {  	[tilespmem:s23], [sflag:$0x2] =	stream.linear.gather [hbm4b:s2+s5], $0x4000, $0x38;
	[tilespmem:$0x18680] =	vst v63  }
0x1f: {  	_ =	swait.ge [sflag:s24], $0x4000  }
0x20: {  	[sflag:s24] =	ssyncset.done $0x0  }
0x21: {  	[sflag:s24] =	ssyncadd.s32 $0xFFFFC000  }
0x22: {  	[spmem:s7] =	stream.linear.scatter [tilespmem:s23], [sflag:$0x2], $0x4000, $0x38;
	[tilespmem:$0x18680] =	vst v63  }
0x23: {  	_ =	swait.ge [sflag:s24], $0x4000  }
0x24: {  	[sflag:s24] =	ssyncset.done $0x0  }
0x25: {  	[sflag:s24] =	ssyncadd.s32 $0xFFFFC000  }
0x26: {  	[spmem:s8] =	stream.linear.scatter [tilespmem:s23], [sflag:$0x2], $0x4000, $0x38;
	[tilespmem:$0x18680] =	vst v63  }
0x27: {  	_ =	swait.ge [sflag:s24], $0x4000  }
0x28: {  	[sflag:s24] =	ssyncset.done $0x0  }
0x29: {  	[sflag:s24] =	ssyncadd.s32 $0xFFFFC000  }
0x2a: {  	[spmem:s9] =	stream.linear.scatter [tilespmem:s23], [sflag:$0x2], $0x4000, $0x38;
	[tilespmem:$0x18680] =	vst v63  }
0x2b: {  	_ =	swait.ge [sflag:s24], $0x4000  }
0x2c: {  	[sflag:s24] =	ssyncset.done $0x0  }
0x2d: {  	[sflag:s24] =	ssyncadd.s32 $0xFFFFC000  }
0x2e: {  	[spmem:s10] =	stream.linear.scatter [tilespmem:s23], [sflag:$0x2], $0x4000, $0x38;
	[tilespmem:$0x18680] =	vst v63  }
0x2f: {  	_ =	swait.ge [sflag:s24], $0x4000  }
0x30: {  	[sflag:s24] =	ssyncset.done $0x0  }
0x31: {  	[sflag:s24] =	ssyncadd.s32 $0xFFFFC000  }
0x32: {  	[spmem:s11] =	stream.linear.scatter [tilespmem:s23], [sflag:$0x2], $0x4000, $0x38;
	[tilespmem:$0x18680] =	vst v63  }
0x33: {  	_ =	swait.ge [sflag:s24], $0x4000  }
0x34: {  	[sflag:s24] =	ssyncset.done $0x0  }
0x35: {  	s12 =	rddreg [dreg:$0x7];
	[sflag:s24] =	ssyncadd.s32 $0xFFFFC000  }
0x36: {  	[tilespmem:s25], [sflag:$0x2] =	stream.linear.gather [hbm4b:s12+s5], $0x280, $0x38;
	[tilespmem:$0x18680] =	vst v63  }
0x37: {  	_ =	swait.ge [sflag:s24], $0x280  }
0x38: {  	[sflag:s24] =	ssyncset.done $0x0  }
0x39: {  	[sflag:s24] =	ssyncadd.s32 $0xFFFFFD80  }
0x3a: {  	[spmem:s13] =	stream.linear.scatter [tilespmem:s25], [sflag:$0x2], $0x280, $0x38;
	[tilespmem:$0x18680] =	vst v63  }
0x3b: {  	_ =	swait.ge [sflag:s24], $0x280  }
0x3c: {  	[sflag:s24] =	ssyncset.done $0x0  }
0x3d: {  	[sflag:s24] =	ssyncadd.s32 $0xFFFFFD80  }
0x3e: {  	[tilespmem:$0x18380] =	vst v0  }
0x3f: {  	[tilespmem:$0x18390] =	vst v0  }
0x40: {  	[tilespmem:$0x183A0] =	vst v0  }
0x41: {  	[tilespmem:$0x183B0] =	vst v0  }
0x42: {  	[tilespmem:$0x183C0] =	vst v0  }
0x43: {  	[tilespmem:$0x183D0] =	vst v0  }
0x44: {  	[tilespmem:$0x183E0] =	vst v0  }
0x45: {  	[tilespmem:$0x183F0] =	vst v0  }
0x46: {  	s14 =	sadd.s32 $0x0, s22;
	[bflag:$0x0] =	sbarrier.arrive $0xFFFF  }
0x47: {  	[tilespmem:s26], [sflag:$0x2] =	stream.linear.gather [hbm4b:s14+s5], $0x80, $0x38;
	[tilespmem:$0x18680] =	vst v63  }
0x48: {  	_ =	swait.ge [sflag:s24], $0x80  }
0x49: {  	[sflag:s24] =	ssyncset.done $0x0  }
0x4a: {  	s15 =	sadd.s32 $0x0, s21;
	[sflag:s24] =	ssyncadd.s32 $0xFFFFFF80  }
0x4b: {  	[tilespmem:s28], [sflag:$0x2] =	stream.linear.gather [hbm4b:s15+s5], $0x80, $0x38;
	[tilespmem:$0x18680] =	vst v63  }
0x4c: {  	_ =	swait.ge [sflag:s24], $0x80  }
0x4d: {  	[sflag:s24] =	ssyncset.done $0x0  }
0x4e: {  	[sflag:s24] =	ssyncadd.s32 $0xFFFFFF80  }
0x4f: {  	[tilespmem:s23], [sflag:$0x1] =	stream.indirect.gather [hbm4b:s1+s29], $0x80, s26, s29, $0xb8;
	[tilespmem:$0x18680] =	vst v63  }
0x50: {  	_ =	swait.ge [sflag:s30], $0x4000  }
0x51: {  	[sflag:s30] =	ssyncset.done $0x0  }
0x52: {  	[sflag:s30] =	ssyncadd.s32 $0xFFFFC000  }
0x53: {  	[spmem:s3] =	stream.indirect.scatter.add.f32 [tilespmem:s23], [sflag:$0x2], $0x80, s28, s29, $0xb8;
	[tilespmem:$0x18680] =	vst v63  }
0x54: {  	_ =	swait.ge [sflag:s24], $0x4000  }
0x55: {  	[sflag:s24] =	ssyncset.done $0x0  }
0x56: {  	[sflag:s24] =	ssyncadd.s32 $0xFFFFC000  }
0x57: {  	[spmem:s4] =	stream.indirect.scatter.add.f32 [tilespmem:s31], [sflag:$0x2], $0x1, s28, s29, $0xb8;
	[tilespmem:$0x18680] =	vst v63  }
0x58: {  	_ =	swait.ge [sflag:s24], $0x80  }
0x59: {  	s6 =	simm.s32 $0x20;
	s2 =	simm.s32 $0x10;
	[sflag:s24] =	ssyncset.done $0x0  }
.LBB2_2:
0x5a: {  	s12 =	sadd.s32 s2, s22  }
0x5b: {  	[sflag:s24] =	ssyncadd.s32 $0xFFFFFF80;
	s14 =	smov.u32 s6;
	s15 =	sadd.s32 $0x10, s6  }
0x5c: {  	[tilespmem:s26], [sflag:$0x2] =	stream.linear.gather [hbm4b:s12+s5], $0x80, $0x38;
	[tilespmem:$0x18680] =	vst v63  }
0x5d: {  	p0 =	sne.s32 s6, $0x4E0;
	_ =	swait.ge [sflag:s24], $0x80  }
0x5e: {  	[sflag:s24] =	ssyncset.done $0x0  }
0x5f: {  	s6 =	sadd.s32 s2, s21;
	s2 =	smov.u32 s14;
	[sflag:s24] =	ssyncadd.s32 $0xFFFFFF80  }
0x60: {  	[tilespmem:s28], [sflag:$0x2] =	stream.linear.gather [hbm4b:s6+s5], $0x80, $0x38;
	[tilespmem:$0x18680] =	vst v63  }
0x61: {  	_ =	swait.ge [sflag:s24], $0x80  }
0x62: {  	[sflag:s24] =	ssyncset.done $0x0  }
0x63: {  	[sflag:s24] =	ssyncadd.s32 $0xFFFFFF80  }
0x64: {  	[tilespmem:s23], [sflag:$0x1] =	stream.indirect.gather [hbm4b:s1+s29], $0x80, s26, s29, $0xb8;
	[tilespmem:$0x18680] =	vst v63  }
0x65: {  	_ =	swait.ge [sflag:s30], $0x4000  }
0x66: {  	[sflag:s30] =	ssyncset.done $0x0  }
0x67: {  	[sflag:s30] =	ssyncadd.s32 $0xFFFFC000  }
0x68: {  	[spmem:s3] =	stream.indirect.scatter.add.f32 [tilespmem:s23], [sflag:$0x2], $0x80, s28, s29, $0xb8;
	[tilespmem:$0x18680] =	vst v63  }
0x69: {  	_ =	swait.ge [sflag:s24], $0x4000  }
.Ltmp0:
0x6a: {  	[sflag:s24] =	ssyncset.done $0x0;
	(pc) =	sbr.rel @p0 .LBB2_2-.Ltmp0, $4  }
0x6b: {  	[sflag:s24] =	ssyncadd.s32 $0xFFFFC000  }
0x6c: {  	[spmem:s4] =	stream.indirect.scatter.add.f32 [tilespmem:s31], [sflag:$0x2], $0x1, s28, s29, $0xb8;
	[tilespmem:$0x18680] =	vst v63  }
0x6d: {  	_ =	swait.ge [sflag:s24], $0x80  }
0x6e: {  	s6 =	smov.u32 s15;
	[sflag:s24] =	ssyncset.done $0x0  }
0x6f: {  	s6 =	sadd.s32 s2, s22;
	[sflag:s24] =	ssyncadd.s32 $0xFFFFFF80  }
0x70: {  	[tilespmem:s26], [sflag:$0x2] =	stream.linear.gather [hbm4b:s6+s5], $0x80, $0x38;
	[tilespmem:$0x18680] =	vst v63  }
0x71: {  	_ =	swait.ge [sflag:s24], $0x80  }
0x72: {  	[sflag:s24] =	ssyncset.done $0x0  }
0x73: {  	s12 =	sadd.s32 s2, s21;
	[sflag:s24] =	ssyncadd.s32 $0xFFFFFF80  }
0x74: {  	[tilespmem:s28], [sflag:$0x2] =	stream.linear.gather [hbm4b:s12+s5], $0x80, $0x38;
	[tilespmem:$0x18680] =	vst v63  }
0x75: {  	_ =	swait.ge [sflag:s24], $0x80  }
0x76: {  	[sflag:s24] =	ssyncset.done $0x0  }
0x77: {  	[sflag:s24] =	ssyncadd.s32 $0xFFFFFF80  }
0x78: {  	[tilespmem:s23], [sflag:$0x1] =	stream.indirect.gather [hbm4b:s1+s29], $0x80, s26, s29, $0xb8;
	[tilespmem:$0x18680] =	vst v63  }
0x79: {  	_ =	swait.ge [sflag:s30], $0x4000  }
0x7a: {  	[sflag:s30] =	ssyncset.done $0x0  }
0x7b: {  	[sflag:s30] =	ssyncadd.s32 $0xFFFFC000  }
0x7c: {  	[spmem:s3] =	stream.indirect.scatter.add.f32 [tilespmem:s23], [sflag:$0x2], $0x80, s28, s29, $0xb8;
	[tilespmem:$0x18680] =	vst v63  }
0x7d: {  	_ =	swait.ge [sflag:s24], $0x4000  }
0x7e: {  	[sflag:s24] =	ssyncset.done $0x0  }
0x7f: {  	[sflag:s24] =	ssyncadd.s32 $0xFFFFC000  }
0x80: {  	[spmem:s4] =	stream.indirect.scatter.add.f32 [tilespmem:s31], [sflag:$0x2], $0x1, s28, s29, $0xb8;
	[tilespmem:$0x18680] =	vst v63  }
0x81: {  	_ =	swait.ge [sflag:s24], $0x80  }
0x82: {  	[sflag:s24] =	ssyncset.done $0x0  }
0x83: {  	[sflag:s24] =	ssyncadd.s32 $0xFFFFFF80  }
0x84: {  	[bflag:$0x0] =	sbarrier.arrive $0xFFFF  }
0x85: {  	[tilespmem:s23], [sflag:$0x2] =	stream.linear.gather [spmem:s7], $0x4000, $0x38;
	[tilespmem:$0x18680] =	vst v63  }
0x86: {  	_ =	swait.ge [sflag:s24], $0x4000  }
0x87: {  	[sflag:s24] =	ssyncset.done $0x0  }
0x88: {  	s14 =	rddreg [dreg:$0x8];
	[sflag:s24] =	ssyncadd.s32 $0xFFFFC000  }
0x89: {  	[hbm4b:s14+s5] =	stream.linear.scatter [tilespmem:s23], [sflag:$0x2], $0x4000, $0x38;
	[tilespmem:$0x18680] =	vst v63  }
0x8a: {  	_ =	swait.ge [sflag:s24], $0x4000  }
0x8b: {  	[sflag:s24] =	ssyncset.done $0x0  }
0x8c: {  	[sflag:s24] =	ssyncadd.s32 $0xFFFFC000  }
0x8d: {  	[tilespmem:s23], [sflag:$0x2] =	stream.linear.gather [spmem:s8], $0x4000, $0x38;
	[tilespmem:$0x18680] =	vst v63  }
0x8e: {  	_ =	swait.ge [sflag:s24], $0x4000  }
0x8f: {  	[sflag:s24] =	ssyncset.done $0x0  }
0x90: {  	s15 =	rddreg [dreg:$0x9];
	[sflag:s24] =	ssyncadd.s32 $0xFFFFC000  }
0x91: {  	[hbm4b:s15+s5] =	stream.linear.scatter [tilespmem:s23], [sflag:$0x2], $0x4000, $0x38;
	[tilespmem:$0x18680] =	vst v63  }
0x92: {  	_ =	swait.ge [sflag:s24], $0x4000  }
0x93: {  	[sflag:s24] =	ssyncset.done $0x0  }
0x94: {  	[sflag:s24] =	ssyncadd.s32 $0xFFFFC000  }
0x95: {  	[tilespmem:s23], [sflag:$0x2] =	stream.linear.gather [spmem:s9], $0x4000, $0x38;
	[tilespmem:$0x18680] =	vst v63  }
0x96: {  	_ =	swait.ge [sflag:s24], $0x4000  }
0x97: {  	[sflag:s24] =	ssyncset.done $0x0  }
0x98: {  	[sflag:s24] =	ssyncadd.s32 $0xFFFFC000  }
0x99: {  	[hbm4b:s16+s5] =	stream.linear.scatter [tilespmem:s23], [sflag:$0x2], $0x4000, $0x38;
	[tilespmem:$0x18680] =	vst v63  }
0x9a: {  	_ =	swait.ge [sflag:s24], $0x4000  }
0x9b: {  	[sflag:s24] =	ssyncset.done $0x0  }
0x9c: {  	[sflag:s24] =	ssyncadd.s32 $0xFFFFC000  }
0x9d: {  	[tilespmem:s23], [sflag:$0x2] =	stream.linear.gather [spmem:s10], $0x4000, $0x38;
	[tilespmem:$0x18680] =	vst v63  }
0x9e: {  	_ =	swait.ge [sflag:s24], $0x4000  }
0x9f: {  	[sflag:s24] =	ssyncset.done $0x0  }
0xa0: {  	[sflag:s24] =	ssyncadd.s32 $0xFFFFC000  }
0xa1: {  	[hbm4b:s17+s5] =	stream.linear.scatter [tilespmem:s23], [sflag:$0x2], $0x4000, $0x38;
	[tilespmem:$0x18680] =	vst v63  }
0xa2: {  	_ =	swait.ge [sflag:s24], $0x4000  }
0xa3: {  	[sflag:s24] =	ssyncset.done $0x0  }
0xa4: {  	[sflag:s24] =	ssyncadd.s32 $0xFFFFC000  }
0xa5: {  	[tilespmem:s23], [sflag:$0x2] =	stream.linear.gather [spmem:s11], $0x4000, $0x38;
	[tilespmem:$0x18680] =	vst v63  }
0xa6: {  	_ =	swait.ge [sflag:s24], $0x4000  }
0xa7: {  	[sflag:s24] =	ssyncset.done $0x0  }
0xa8: {  	[sflag:s24] =	ssyncadd.s32 $0xFFFFC000  }
0xa9: {  	[hbm4b:s18+s5] =	stream.linear.scatter [tilespmem:s23], [sflag:$0x2], $0x4000, $0x38;
	[tilespmem:$0x18680] =	vst v63  }
0xaa: {  	_ =	swait.ge [sflag:s24], $0x4000  }
0xab: {  	[sflag:s24] =	ssyncset.done $0x0  }
0xac: {  	[sflag:s24] =	ssyncadd.s32 $0xFFFFC000  }
0xad: {  	[tilespmem:s25], [sflag:$0x2] =	stream.linear.gather [spmem:s13], $0x280, $0x38;
	[tilespmem:$0x18680] =	vst v63  }
0xae: {  	s0 =	sadd.s32 $0x1, s0;
	_ =	swait.ge [sflag:s24], $0x280  }
0xaf: {  	p0 =	sne.s32 s0, s20;
	[sflag:s24] =	ssyncset.done $0x0  }
.Ltmp1:
0xb0: {  	[sflag:s24] =	ssyncadd.s32 $0xFFFFFD80;
	(pc) =	sbr.rel @p0 .LBB2_1-.Ltmp1, $4  }
0xb1: {  	[hbm4b:s19+s5] =	stream.linear.scatter [tilespmem:s25], [sflag:$0x2], $0x280, $0x38;
	[tilespmem:$0x18680] =	vst v63  }
0xb2: {  	_ =	swait.ge [sflag:s24], $0x280  }
0xb3: {  	[sflag:s24] =	ssyncset.done $0x0  }
0xb4: {  	[sflag:s24] =	ssyncadd.s32 $0xFFFFFD80  }
0xb5: {  	_ =	sfence.sel $0x180000  }
0xb6: {  	[bflag:$0x0] =	sbarrier.arrive $0xFFFF  }
0xb7: {  	_ =	strace $0x90000047  }
0xb8: {  	s0 =	stileid.u32;
	[bflag:$0x2] =	sbarrier.arrive $0xFFFF  }
0xb9: {  	p0 =	sne.s32 s0, $0x0;
	s0 =	rddreg [dreg:$0x5]  }
0xba: {  	s0 =	sadd.s32 @!p0 $0x100000, s0  }
0xbb: {  	[sflag:s0] =	ssyncadd.tile.s32 @!p0 $0x1;
	_ =	shalt  }
.Lfunc_end2:
_tile_overlayer_lowered:
.L_overlay_start_2:
0xbc: {  	(tag) =	ssettag $0x2  }
0xbd: {  	s0 =	rddreg [dreg:$0x0];
	s2 =	stileid.u32  }
0xbe: {  	s1 =	rddreg [dreg:$0x1];
	p0 =	sne.s32 s2, $0x0  }
0xbf: {  	s3 =	rddreg [dreg:$0x2];
	[bflag:$0x3] =	sbarrier.arrive $0xFFFF;
	s2 =	simm.s32 @!p0 $0x1C02  }
0xc0: {  	[timem:s3], [sflag:s2] =	dma.local @!p0 [hbm:s0], s1  }
0xc1: {  	s0 =	simm.s32 @!p0 $0x2  }
0xc2: {  	_ =	swait.ge @!p0 [sflag:s0], s1  }
0xc3: {  	s1 =	ssub.s32 @!p0 $0x0, s1;
	[sflag:s0] =	ssyncset.done @!p0 $0x0  }
0xc4: {  	[sflag:s0] =	ssyncadd.s32 @!p0 s1  }
0xc5: {  	[bflag:$0x3] =	sbarrier.arrive $0xFFFF  }
0xc6: {  	_ =	shalt  }

// kernel: kernel.9.cloned.1.call-start
scs
__scs_entry_jumppad:
0x0: {  	(pc) =	sbr.rel $0x88, $3  }
0x1: {  	(tag) =	ssettag $0x0;
	lr =	simm.s32 $0x1  }
0x2: {  	[smem:$0x3F99] =	sst lr;
	_ =	strace $0xD0000000  }
0x3: {  	_ = 	snop  }
0x4: {  	_ = 	snop  }
0x5: {  	_ = 	snop  }
0x6: {  	_ = 	snop  }
0x7: {  	_ = 	snop  }
__scs_overlays_trampoline_lowered:
0x8: {  	[smem:$0x3FA8] =	sst s0  }
0x9: {  	[smem:$0x3FA9] =	sst s1  }
0xa: {  	[smem:$0x3FAA] =	sst s2  }
0xb: {  	[smem:$0x3FAB] =	sst s3  }
0xc: {  	[smem:$0x3FAC] =	sst s4  }
0xd: {  	[smem:$0x3FAD] =	sst s5  }
0xe: {  	[smem:$0x3FAE] =	sst s6  }
0xf: {  	[smem:$0x3FAF] =	sst s7  }
0x10: {  	[smem:$0x3FB0] =	sst s8  }
0x11: {  	[smem:$0x3FB1] =	sst s9;
	s0 =	simm.s32 @!p0 $0x0  }
0x12: {  	s1 =	sld [smem:$0x3F97];
	s0 =	simm.s32 @p0 $0x1  }
0x13: {  	[smem:$0x3FB2] =	sst s0;
	s0 =	simm.s32 @!p1 $0x0  }
0x14: {  	s2 =	sld [smem:$0x3F96];
	s0 =	simm.s32 @p1 $0x1  }
0x15: {  	[smem:$0x3FB3] =	sst s0;
	s0 =	simm.s32 @!p2 $0x0  }
0x16: {  	s3 =	sld [smem:$0x3FDB];
	s0 =	simm.s32 @p2 $0x1  }
0x17: {  	s4 =	simm.s32 $0x1BF5;
	[smem:$0x3FB5] =	sst s0  }
0x18: {  	s0 =	sld [smem:$0x3F98];
	_ =	swait.ge [sflag:s4], $0x0  }
0x19: {  	s7 =	sld [smem:$0x3F99]  }
0x1a: {  	s8 =	sadd.s32 $0xFFFFE003, lr  }
0x1b: {  	s9 =	sadd.s32 $0xFFFFFEF7, lr;
	s5 =	simm.s32 $0xFFFFFFFF;
	p2 =	slt.u32 s8, $0xFFFFF086  }
0x1c: {  	p1 =	slt.u32 s9, $0xF7A;
	s5 =	simm.s32 @!p2 $0x0  }
0x1d: {  	s5 =	simm.s32 @p1 $0x1;
	p0 =	seq.s32 s7, s2  }
0x1e: {  	s7 =	smul.u32 @!p0 $0xF7A, s2;
	p2 =	seq.s32 @!p0 s5, $0x0  }
0x1f: {  	s9 =	smul.u32 $0xF7A, s1;
	s8 =	simm.s32 @!p0 $0x1BF5;
	p2 =	por !p2, p0  }
0x20: {  	[sflag:s8] =	ssyncset.s32 @!p0 $0xFFFFF086;
	s6 =	sadd.s32 @!p0 s3, s7;
	s7 =	simm.s32 @!p0 $0x108  }
0x21: {  	s3 =	sadd.s32 s3, s9;
	s6 =	sadd.s32 @!p0 $0x88, s6;
	s7 =	simm.s32 @p2 $0x1082  }
0x22: {  	[simem:s7], [sflag:s8] =	dma.local @!p0 [hbm:s6], $0xF7A  }
0x23: {  	s9 =	sor.u32 $0xD0000000, s2;
	s6 =	simm.s32 $0x108;
	_ =	swait.ge @!p0 [sflag:s8], $0x0  }
0x24: {  	s3 =	sadd.s32 $0x88, s3;
	s6 =	simm.s32 @!p1 $0x1082;
	[sflag:s4] =	ssyncset.s32 $0xFFFFF086  }
0x25: {  	[simem:s6], [sflag:s4] =	dma.local [hbm:s3], $0xF7A  }
0x26: {  	[smem:$0x3F99] =	sst s1;
	(tag) =	ssettag s2;
	_ =	strace s9  }
0x27: {  	s1 =	sld [smem:$0x3FA9]  }
0x28: {  	s2 =	sld [smem:$0x3FAA]  }
0x29: {  	s4 =	sld [smem:$0x3FAC]  }
0x2a: {  	p0 =	seq.s32 s5, $0x0;
	s5 =	sld [smem:$0x3FAD]  }
0x2b: {  	s6 =	sld [smem:$0x3FAE]  }
0x2c: {  	s7 =	sld [smem:$0x3FAF]  }
0x2d: {  	s3 =	simm.s32 $0x108;
	s8 =	sld [smem:$0x3FB0]  }
0x2e: {  	s3 =	simm.s32 @!p0 $0x1082;
	s9 =	sld [smem:$0x3FB1]  }
0x2f: {  	lr =	sadd.s32 s0, s3;
	s0 =	sld [smem:$0x3FA8]  }
0x30: {  	s3 =	sld [smem:$0x3FAB]  }
0x31: {  	[smem:$0x3FB4] =	sst s10  }
0x32: {  	s10 =	sld [smem:$0x3FB2];
	_ =	sdelay $0x3  }
0x33: {  	p0 =	seq.s32 s10, $0x1;
	s10 =	sld [smem:$0x3FB4];
	_ =	sdelay $0x3  }
0x34: {  	[smem:$0x3FB4] =	sst s10  }
0x35: {  	s10 =	sld [smem:$0x3FB3];
	_ =	sdelay $0x3  }
0x36: {  	p1 =	seq.s32 s10, $0x1;
	s10 =	sld [smem:$0x3FB4];
	_ =	sdelay $0x3  }
0x37: {  	[smem:$0x3FB4] =	sst s10  }
0x38: {  	s10 =	sld [smem:$0x3FB5]  }
0x39: {  	_ = 	snop;
	(pc) =	sbr.ind lr, $3  }
0x3a: {  	_ = 	snop  }
0x3b: {  	_ = 	snop  }
0x3c: {  	p2 =	seq.s32 s10, $0x1;
	s10 =	sld [smem:$0x3FB4]  }
0x3d: {  	_ =	shalt  }
0x3e: {  	_ =	shalt  }
0x3f: {  	_ =	shalt  }
0x40: {  	_ =	shalt  }
0x41: {  	_ =	shalt  }
0x42: {  	_ =	shalt  }
0x43: {  	_ =	shalt  }
0x44: {  	_ =	shalt  }
0x45: {  	_ =	shalt  }
0x46: {  	_ =	shalt  }
0x47: {  	_ =	shalt  }
0x48: {  	_ =	shalt  }
0x49: {  	_ =	shalt  }
0x4a: {  	_ =	shalt  }
0x4b: {  	_ =	shalt  }
0x4c: {  	_ =	shalt  }
0x4d: {  	_ =	shalt  }
0x4e: {  	_ =	shalt  }
0x4f: {  	_ =	shalt  }
0x50: {  	_ =	shalt  }
0x51: {  	_ =	shalt  }
0x52: {  	_ =	shalt  }
0x53: {  	_ =	shalt  }
0x54: {  	_ =	shalt  }
0x55: {  	_ =	shalt  }
0x56: {  	_ =	shalt  }
0x57: {  	_ =	shalt  }
0x58: {  	_ =	shalt  }
0x59: {  	_ =	shalt  }
0x5a: {  	_ =	shalt  }
0x5b: {  	_ =	shalt  }
0x5c: {  	_ =	shalt  }
0x5d: {  	_ =	shalt  }
0x5e: {  	_ =	shalt  }
0x5f: {  	_ =	shalt  }
0x60: {  	_ =	shalt  }
0x61: {  	_ =	shalt  }
0x62: {  	_ =	shalt  }
0x63: {  	_ =	shalt  }
0x64: {  	_ =	shalt  }
0x65: {  	_ =	shalt  }
0x66: {  	_ =	shalt  }
0x67: {  	_ =	shalt  }
0x68: {  	_ =	shalt  }
0x69: {  	_ =	shalt  }
0x6a: {  	_ =	shalt  }
0x6b: {  	_ =	shalt  }
0x6c: {  	_ =	shalt  }
0x6d: {  	_ =	shalt  }
0x6e: {  	_ =	shalt  }
0x6f: {  	_ =	shalt  }
0x70: {  	_ =	shalt  }
0x71: {  	_ =	shalt  }
0x72: {  	_ =	shalt  }
0x73: {  	_ =	shalt  }
0x74: {  	_ =	shalt  }
0x75: {  	_ =	shalt  }
0x76: {  	_ =	shalt  }
0x77: {  	_ =	shalt  }
0x78: {  	_ =	shalt  }
0x79: {  	_ =	shalt  }
0x7a: {  	_ =	shalt  }
0x7b: {  	_ =	shalt  }
0x7c: {  	_ =	shalt  }
0x7d: {  	_ =	shalt  }
0x7e: {  	_ =	shalt  }
0x7f: {  	_ =	shalt  }
0x80: {  	_ =	shalt  }
0x81: {  	_ =	shalt  }
0x82: {  	_ =	shalt  }
0x83: {  	_ =	shalt  }
0x84: {  	_ =	shalt  }
0x85: {  	_ =	shalt  }
0x86: {  	_ =	shalt  }
0x87: {  	_ =	shalt  }
.Lfunc_end0:
.L_simem_size_0:
called_computation.1_lowered:
.L_overlay_start_0:
0x88: {  	s2 =	sld [smem:$0x3FD9]  }
0x89: {  	s3 =	sld [smem:$0x3FFE];
	_ =	sdelay $0x1  }
0x8a: {  	s1 =	srdreg.scid  }
0x8b: {  	s0 =	sand.u32 $0x1, s1  }
0x8c: {  	s17 =	sshll.u32 s0, $0xA;
	s2 =	sadd.s32 s3, s2  }
0x8d: {  	s2 =	sadd.s32 s2, s17  }
0x8e: {  	[smem:$0x3FC0] =	sst s2  }
0x8f: {  	_ = 	snop  }
0x90: {  	s2 =	sld [smem:$0x3FD0];
	(tm) =	ssettm $0x1  }
0x91: {  	s18 =	sld [smem:$0x3FFB];
	_ =	sdelay $0x3  }
0x92: {  	_ =	strace s18  }
0x93: {  	s3 =	sld [smem:$0x3FFC];
	_ =	sdelay $0x3  }
0x94: {  	_ =	strace s3  }
0x95: {  	s3 =	sld [smem:$0x3FFD];
	_ =	sdelay $0x3  }
0x96: {  	_ =	strace s3  }
0x97: {  	_ =	strace $0x8FFFFFFF  }
0x98: {  	s19 =	sld [smem:$0x3FDB];
	_ =	sdelay $0x1  }
0x99: {  	s4 =	simm.s32 $_scs_section_size  }
0x9a: {  	s5 =	simm.s32 $_size__tile_overlayer_lowered;
	s6 =	simm.s32 $_tile_overlayer_lowered  }
0x9b: {  	s22 =	simm.s32 $0x1BFF;
	s21 =	sshll.u32 s6, $0x1;
	s3 =	sadd.s32 s4, s19  }
0x9c: {  	s7 =	simm.s32 $0x0;
	s20 =	sshll.u32 s5, $0x1;
	s5 =	sadd.s32 s21, s3  }
0x9d: {  	[timem:s7], [sflag:s22] =	dma.local [hbm:s5], s20  }
0x9e: {  	_ =	swait.ge [sflag:s22], s20  }
0x9f: {  	s4 =	ssub.s32 $0x0, s20;
	[sflag:s22] =	ssyncset.done $0x0  }
0xa0: {  	[sflag:s22] =	ssyncadd.s32 s4;
	_ =	sdelay $0x1  }
0xa1: {  	s23 =	simm.s32 $0x1B8B  }
0xa2: {  	_ =	swait.ge [sflag:s23], $0x1  }
0xa3: {  	[sflag:s23] =	ssyncset.done $0x0  }
0xa4: {  	s25 =	simm.s32 $0x1B8E;
	s24 =	sld [smem:$0x3FFE];
	[sflag:s23] =	ssyncadd.s32 $0xFFFFFFFF  }
0xa5: {  	s26 =	simm.s32 $execute0_lowered;
	[smem:$0x3FD2] =	sst s25  }
0xa6: {  	s5 =	sshll.u32 s26, $0x1;
	_ =	strace $0x80000049;
	[dreg:$0x1] =	wrdreg $0xFFFFFFFF  }
0xa7: {  	s28 =	simm.s32 $_size_execute0_lowered;
	s3 =	sadd.s32 s3, s5;
	[dreg:$0x0] =	wrdreg $0x0  }
0xa8: {  	s5 =	sshll.u32 s28, $0x1;
	[dreg:$0x2] =	wrdreg s3  }
0xa9: {  	[dreg:$0x3] =	wrdreg s5  }
0xaa: {  	[dreg:$0x4] =	wrdreg $0xC0  }
0xab: {  	_ =	task [dreg:s7], $0x5FFFF  }
0xac: {  	[dreg:$0x1] =	wrdreg $0xFFFFFFFF  }
0xad: {  	[dreg:$0x0] =	wrdreg $0x60  }
0xae: {  	[dreg:$0x2] =	wrdreg s2  }
0xaf: {  	[dreg:$0x3] =	wrdreg s24  }
0xb0: {  	[dreg:$0x4] =	wrdreg $0x0  }
0xb1: {  	[dreg:$0x5] =	wrdreg $0x140000  }
0xb2: {  	[dreg:$0x6] =	wrdreg $0x9  }
0xb3: {  	_ =	task.clear_ibuf [dreg:s7], $0x7FFFF;
	_ =	strace $0x90000049  }
0xb4: {  	s29 =	simm.s32 $0x9;
	_ =	strace $0x8000004B  }
0xb5: {  	_ =	swait.ge [sflag:s29], $0x1  }
0xb6: {  	[sflag:s29] =	ssyncadd.s32 $0xFFFFFFFF  }
0xb7: {  	_ =	strace $0x9000004B  }
0xb8: {  	_ =	sfence  }
0xb9: {  	s30 =	sld [smem:$0x0];
	_ =	sdelay $0x2  }
0xba: {  	s31 =	sshll.u32 s1, $0xD;
	s1 =	sshrl.u32 s1, $0x2  }
0xbb: {  	s3 =	sand.u32 $0x4000, s31;
	s1 =	sadd.s32 s1, s30  }
0xbc: {  	s0 =	sor.u32 s3, s0;
	s1 =	sshll.u32 s1, $0x11  }
0xbd: {  	s0 =	sor.u32 s1, s0  }
0xbe: {  	s0 =	sadd.s32 $0x8F2B, s0  }
0xbf: {  	[sflag:s0] =	ssyncadd.remote.s32 $0x1  }
0xc0: {  	_ =	sfence.sel $0xFFFF  }
0xc1: {  	[dreg:$0x0] =	wrdreg $0xFFFFFFFF;
	(pc) =	sbr.abs _section_cstart, $3  }
0xc2: {  	[dreg:$0x1] =	wrdreg $0xFFFFFFFF  }
0xc3: {  	_ =	task.clear_ibuf [dreg:s7], $0x2FFFF;
	_ =	strace $0x9FFFFFFF  }
0xc4: {  	(tm) =	ssettm $0x7FFFFFFF  }
0xc5: {  	_ =	shalt  }
tec
execute0_lowered:
.L_overlay_start_1:
0x0: {  	(tag) =	ssettag $0x1  }
0x1: {  	s1 =	rddreg [dreg:$0x0]  }
0x2: {  	s0 =	rddreg [dreg:$0x1]  }
0x3: {  	s3 =	rddreg [dreg:$0x2]  }
0x4: {  	s4 =	rddreg [dreg:$0x3];
	s10 =	stileid.u32  }
0x5: {  	s5 =	simm.s32 $0x0;
	s6 =	srdreg.scid;
	s2 =	smul.u32 $0x9E0, s10  }
0x6: {  	s28 =	simm.s32 $0x14300;
	s29 =	simm.s32 $0x80;
	s13 =	smul.u32 $0x280, s10  }
0x7: {  	s30 =	simm.s32 $0x1;
	s31 =	simm.s32 $0x18380;
	s9 =	smul.u32 $0x50000, s10  }
0x8: {  	[smem:$0x7FF] =	sst s5;
	s6 =	sand.u32 $0x1, s6;
	s19 =	smul.u32 $0x14000, s10  }
0x9: {  	s8 =	sadd.s32 $0x16400, s0;
	s18 =	sadd.s32 $0x3EE00, s0;
	s7 =	smul.u32 $0x2800, s6  }
0xa: {  	_ =	strace $0x8000004A;
	[dreg:$0x5] =	wrdreg s8;
	s16 =	smul.u32 $0x140000, s6  }
0xb: {  	s23 =	ssub.s32 $0x2, s6;
	s6 =	smul.u32 $0x4F0, s6;
	s2 =	sadd.s32 s2, s0  }
0xc: {  	s22 =	sshrl.u32 s13, $0x3;
	s24 =	sshrl.u32 s23, $0x1;
	s11 =	sshll.u32 s13, $0x7  }
0xd: {  	s25 =	sshrl.u32 s9, $0x2;
	s12 =	sadd.s32 s22, s0;
	s7 =	sadd.s32 s13, s7  }
0xe: {  	s20 =	ssub.s32 s23, s24;
	s14 =	sadd.s32 $0x4000, s11;
	s15 =	sadd.s32 $0x8000, s11  }
0xf: {  	s17 =	sadd.s32 $0xC000, s11;
	s21 =	sadd.s32 $0x10000, s11;
	s19 =	sadd.s32 s19, s16  }
0x10: {  	s13 =	sadd.s32 s13, s4;
	s7 =	sshrl.u32 s7, $0x3;
	s8 =	sadd.s32 s14, s3  }
0x11: {  	s9 =	sadd.s32 s15, s3;
	s10 =	sadd.s32 s17, s3;
	s11 =	sadd.s32 s21, s3  }
0x12: {  	s12 =	sadd.s32 $0x15E00, s12;
	s19 =	sshrl.u32 s19, $0x3;
	s22 =	sadd.s32 s16, s14  }
0x13: {  	s15 =	sadd.s32 s16, s15;
	s17 =	sadd.s32 s16, s17;
	s21 =	sadd.s32 s16, s21  }
0x14: {  	s20 =	smax.u32 s20, $0x1;
	s0 =	sadd.s32 s7, s0;
	s7 =	sadd.s32 s25, s3  }
0x15: {  	[dreg:$0x6] =	wrdreg s12;
	s26 =	sadd.s32 s18, s19;
	s14 =	sshrl.u32 s22, $0x3  }
0x16: {  	s24 =	sshrl.u32 s15, $0x3;
	s17 =	sshrl.u32 s17, $0x3;
	s25 =	sshrl.u32 s21, $0x3  }
0x17: {  	[dreg:$0x7] =	wrdreg s26;
	s23 =	sadd.s32 s18, s14;
	s16 =	sadd.s32 s18, s24  }
0x18: {  	s17 =	sadd.s32 s18, s17;
	s18 =	sadd.s32 s18, s25;
	s19 =	sadd.s32 $0x3E400, s0  }
0x19: {  	s26 =	sadd.s32 s6, s2;
	s24 =	simm.s32 $0x2;
	s25 =	simm.s32 $0x18400  }
0x1a: {  	s0 =	simm.s32 $0x0;
	[dreg:$0x8] =	wrdreg s23;
	s21 =	sadd.s32 $0x2200, s26  }
0x1b: {  	v0 =	vimm.f32 $1.000000000e+00;
	s22 =	sadd.s32 $0xC000, s26;
	s23 =	simm.s32 $0x14380;
	s26 =	simm.s32 $0x14280  }
.LBB2_1:
0x1c: {  	s2 =	rddreg [dreg:$0x5]  }
0x1d: {  	[tilespmem:s23], [sflag:$0x2] =	stream.linear.gather [hbm4b:s2+s5], $0x4000, $0x38;
	[tilespmem:$0x18680] =	vst v63  }
0x1e: {  	_ =	swait.ge [sflag:s24], $0x4000  }
0x1f: {  	[sflag:s24] =	ssyncset.done $0x0  }
0x20: {  	[sflag:s24] =	ssyncadd.s32 $0xFFFFC000  }
0x21: {  	[spmem:s7] =	stream.linear.scatter [tilespmem:s23], [sflag:$0x2], $0x4000, $0x38;
	[tilespmem:$0x18680] =	vst v63  }
0x22: {  	_ =	swait.ge [sflag:s24], $0x4000  }
0x23: {  	[sflag:s24] =	ssyncset.done $0x0  }
0x24: {  	[sflag:s24] =	ssyncadd.s32 $0xFFFFC000  }
0x25: {  	[spmem:s8] =	stream.linear.scatter [tilespmem:s23], [sflag:$0x2], $0x4000, $0x38;
	[tilespmem:$0x18680] =	vst v63  }
0x26: {  	_ =	swait.ge [sflag:s24], $0x4000  }
0x27: {  	[sflag:s24] =	ssyncset.done $0x0  }
0x28: {  	[sflag:s24] =	ssyncadd.s32 $0xFFFFC000  }
0x29: {  	[spmem:s9] =	stream.linear.scatter [tilespmem:s23], [sflag:$0x2], $0x4000, $0x38;
	[tilespmem:$0x18680] =	vst v63  }
0x2a: {  	_ =	swait.ge [sflag:s24], $0x4000  }
0x2b: {  	[sflag:s24] =	ssyncset.done $0x0  }
0x2c: {  	[sflag:s24] =	ssyncadd.s32 $0xFFFFC000  }
0x2d: {  	[spmem:s10] =	stream.linear.scatter [tilespmem:s23], [sflag:$0x2], $0x4000, $0x38;
	[tilespmem:$0x18680] =	vst v63  }
0x2e: {  	_ =	swait.ge [sflag:s24], $0x4000  }
0x2f: {  	[sflag:s24] =	ssyncset.done $0x0  }
0x30: {  	[sflag:s24] =	ssyncadd.s32 $0xFFFFC000  }
0x31: {  	[spmem:s11] =	stream.linear.scatter [tilespmem:s23], [sflag:$0x2], $0x4000, $0x38;
	[tilespmem:$0x18680] =	vst v63  }
0x32: {  	_ =	swait.ge [sflag:s24], $0x4000  }
0x33: {  	[sflag:s24] =	ssyncset.done $0x0  }
0x34: {  	s12 =	rddreg [dreg:$0x6];
	[sflag:s24] =	ssyncadd.s32 $0xFFFFC000  }
0x35: {  	[tilespmem:s25], [sflag:$0x2] =	stream.linear.gather [hbm4b:s12+s5], $0x280, $0x38;
	[tilespmem:$0x18680] =	vst v63  }
0x36: {  	_ =	swait.ge [sflag:s24], $0x280  }
0x37: {  	[sflag:s24] =	ssyncset.done $0x0  }
0x38: {  	[sflag:s24] =	ssyncadd.s32 $0xFFFFFD80  }
0x39: {  	[spmem:s13] =	stream.linear.scatter [tilespmem:s25], [sflag:$0x2], $0x280, $0x38;
	[tilespmem:$0x18680] =	vst v63  }
0x3a: {  	_ =	swait.ge [sflag:s24], $0x280  }
0x3b: {  	[sflag:s24] =	ssyncset.done $0x0  }
0x3c: {  	[sflag:s24] =	ssyncadd.s32 $0xFFFFFD80  }
0x3d: {  	[tilespmem:$0x18380] =	vst v0  }
0x3e: {  	[tilespmem:$0x18390] =	vst v0  }
0x3f: {  	[tilespmem:$0x183A0] =	vst v0  }
0x40: {  	[tilespmem:$0x183B0] =	vst v0  }
0x41: {  	[tilespmem:$0x183C0] =	vst v0  }
0x42: {  	[tilespmem:$0x183D0] =	vst v0  }
0x43: {  	[tilespmem:$0x183E0] =	vst v0  }
0x44: {  	[tilespmem:$0x183F0] =	vst v0  }
0x45: {  	s14 =	sadd.s32 $0x0, s22;
	[bflag:$0x0] =	sbarrier.arrive $0xFFFF  }
0x46: {  	[tilespmem:s26], [sflag:$0x2] =	stream.linear.gather [hbm4b:s14+s5], $0x80, $0x38;
	[tilespmem:$0x18680] =	vst v63  }
0x47: {  	_ =	swait.ge [sflag:s24], $0x80  }
0x48: {  	[sflag:s24] =	ssyncset.done $0x0  }
0x49: {  	s15 =	sadd.s32 $0x0, s21;
	[sflag:s24] =	ssyncadd.s32 $0xFFFFFF80  }
0x4a: {  	[tilespmem:s28], [sflag:$0x2] =	stream.linear.gather [hbm4b:s15+s5], $0x80, $0x38;
	[tilespmem:$0x18680] =	vst v63  }
0x4b: {  	_ =	swait.ge [sflag:s24], $0x80  }
0x4c: {  	[sflag:s24] =	ssyncset.done $0x0  }
0x4d: {  	[sflag:s24] =	ssyncadd.s32 $0xFFFFFF80  }
0x4e: {  	[tilespmem:s23], [sflag:$0x1] =	stream.indirect.gather [hbm4b:s1+s29], $0x80, s26, s29, $0xb8;
	[tilespmem:$0x18680] =	vst v63  }
0x4f: {  	_ =	swait.ge [sflag:s30], $0x4000  }
0x50: {  	[sflag:s30] =	ssyncset.done $0x0  }
0x51: {  	[sflag:s30] =	ssyncadd.s32 $0xFFFFC000  }
0x52: {  	[spmem:s3] =	stream.indirect.scatter.add.f32 [tilespmem:s23], [sflag:$0x2], $0x80, s28, s29, $0xb8;
	[tilespmem:$0x18680] =	vst v63  }
0x53: {  	_ =	swait.ge [sflag:s24], $0x4000  }
0x54: {  	[sflag:s24] =	ssyncset.done $0x0  }
0x55: {  	[sflag:s24] =	ssyncadd.s32 $0xFFFFC000  }
0x56: {  	[spmem:s4] =	stream.indirect.scatter.add.f32 [tilespmem:s31], [sflag:$0x2], $0x1, s28, s29, $0xb8;
	[tilespmem:$0x18680] =	vst v63  }
0x57: {  	_ =	swait.ge [sflag:s24], $0x80  }
0x58: {  	s6 =	simm.s32 $0x20;
	s2 =	simm.s32 $0x10;
	[sflag:s24] =	ssyncset.done $0x0  }
.LBB2_2:
0x59: {  	s12 =	sadd.s32 s2, s22  }
0x5a: {  	[sflag:s24] =	ssyncadd.s32 $0xFFFFFF80;
	s14 =	smov.u32 s6;
	s15 =	sadd.s32 $0x10, s6  }
0x5b: {  	[tilespmem:s26], [sflag:$0x2] =	stream.linear.gather [hbm4b:s12+s5], $0x80, $0x38;
	[tilespmem:$0x18680] =	vst v63  }
0x5c: {  	p0 =	sne.s32 s6, $0x4E0;
	_ =	swait.ge [sflag:s24], $0x80  }
0x5d: {  	[sflag:s24] =	ssyncset.done $0x0  }
0x5e: {  	s6 =	sadd.s32 s2, s21;
	s2 =	smov.u32 s14;
	[sflag:s24] =	ssyncadd.s32 $0xFFFFFF80  }
0x5f: {  	[tilespmem:s28], [sflag:$0x2] =	stream.linear.gather [hbm4b:s6+s5], $0x80, $0x38;
	[tilespmem:$0x18680] =	vst v63  }
0x60: {  	_ =	swait.ge [sflag:s24], $0x80  }
0x61: {  	[sflag:s24] =	ssyncset.done $0x0  }
0x62: {  	[sflag:s24] =	ssyncadd.s32 $0xFFFFFF80  }
0x63: {  	[tilespmem:s23], [sflag:$0x1] =	stream.indirect.gather [hbm4b:s1+s29], $0x80, s26, s29, $0xb8;
	[tilespmem:$0x18680] =	vst v63  }
0x64: {  	_ =	swait.ge [sflag:s30], $0x4000  }
0x65: {  	[sflag:s30] =	ssyncset.done $0x0  }
0x66: {  	[sflag:s30] =	ssyncadd.s32 $0xFFFFC000  }
0x67: {  	[spmem:s3] =	stream.indirect.scatter.add.f32 [tilespmem:s23], [sflag:$0x2], $0x80, s28, s29, $0xb8;
	[tilespmem:$0x18680] =	vst v63  }
0x68: {  	_ =	swait.ge [sflag:s24], $0x4000  }
.Ltmp0:
0x69: {  	[sflag:s24] =	ssyncset.done $0x0;
	(pc) =	sbr.rel @p0 .LBB2_2-.Ltmp0, $4  }
0x6a: {  	[sflag:s24] =	ssyncadd.s32 $0xFFFFC000  }
0x6b: {  	[spmem:s4] =	stream.indirect.scatter.add.f32 [tilespmem:s31], [sflag:$0x2], $0x1, s28, s29, $0xb8;
	[tilespmem:$0x18680] =	vst v63  }
0x6c: {  	_ =	swait.ge [sflag:s24], $0x80  }
0x6d: {  	s6 =	smov.u32 s15;
	[sflag:s24] =	ssyncset.done $0x0  }
0x6e: {  	s6 =	sadd.s32 s2, s22;
	[sflag:s24] =	ssyncadd.s32 $0xFFFFFF80  }
0x6f: {  	[tilespmem:s26], [sflag:$0x2] =	stream.linear.gather [hbm4b:s6+s5], $0x80, $0x38;
	[tilespmem:$0x18680] =	vst v63  }
0x70: {  	_ =	swait.ge [sflag:s24], $0x80  }
0x71: {  	[sflag:s24] =	ssyncset.done $0x0  }
0x72: {  	s12 =	sadd.s32 s2, s21;
	[sflag:s24] =	ssyncadd.s32 $0xFFFFFF80  }
0x73: {  	[tilespmem:s28], [sflag:$0x2] =	stream.linear.gather [hbm4b:s12+s5], $0x80, $0x38;
	[tilespmem:$0x18680] =	vst v63  }
0x74: {  	_ =	swait.ge [sflag:s24], $0x80  }
0x75: {  	[sflag:s24] =	ssyncset.done $0x0  }
0x76: {  	[sflag:s24] =	ssyncadd.s32 $0xFFFFFF80  }
0x77: {  	[tilespmem:s23], [sflag:$0x1] =	stream.indirect.gather [hbm4b:s1+s29], $0x80, s26, s29, $0xb8;
	[tilespmem:$0x18680] =	vst v63  }
0x78: {  	_ =	swait.ge [sflag:s30], $0x4000  }
0x79: {  	[sflag:s30] =	ssyncset.done $0x0  }
0x7a: {  	[sflag:s30] =	ssyncadd.s32 $0xFFFFC000  }
0x7b: {  	[spmem:s3] =	stream.indirect.scatter.add.f32 [tilespmem:s23], [sflag:$0x2], $0x80, s28, s29, $0xb8;
	[tilespmem:$0x18680] =	vst v63  }
0x7c: {  	_ =	swait.ge [sflag:s24], $0x4000  }
0x7d: {  	[sflag:s24] =	ssyncset.done $0x0  }
0x7e: {  	[sflag:s24] =	ssyncadd.s32 $0xFFFFC000  }
0x7f: {  	[spmem:s4] =	stream.indirect.scatter.add.f32 [tilespmem:s31], [sflag:$0x2], $0x1, s28, s29, $0xb8;
	[tilespmem:$0x18680] =	vst v63  }
0x80: {  	_ =	swait.ge [sflag:s24], $0x80  }
0x81: {  	[sflag:s24] =	ssyncset.done $0x0  }
0x82: {  	[sflag:s24] =	ssyncadd.s32 $0xFFFFFF80  }
0x83: {  	[bflag:$0x0] =	sbarrier.arrive $0xFFFF  }
0x84: {  	[tilespmem:s23], [sflag:$0x2] =	stream.linear.gather [spmem:s7], $0x4000, $0x38;
	[tilespmem:$0x18680] =	vst v63  }
0x85: {  	_ =	swait.ge [sflag:s24], $0x4000  }
0x86: {  	[sflag:s24] =	ssyncset.done $0x0  }
0x87: {  	s14 =	rddreg [dreg:$0x7];
	[sflag:s24] =	ssyncadd.s32 $0xFFFFC000  }
0x88: {  	[hbm4b:s14+s5] =	stream.linear.scatter [tilespmem:s23], [sflag:$0x2], $0x4000, $0x38;
	[tilespmem:$0x18680] =	vst v63  }
0x89: {  	_ =	swait.ge [sflag:s24], $0x4000  }
0x8a: {  	[sflag:s24] =	ssyncset.done $0x0  }
0x8b: {  	[sflag:s24] =	ssyncadd.s32 $0xFFFFC000  }
0x8c: {  	[tilespmem:s23], [sflag:$0x2] =	stream.linear.gather [spmem:s8], $0x4000, $0x38;
	[tilespmem:$0x18680] =	vst v63  }
0x8d: {  	_ =	swait.ge [sflag:s24], $0x4000  }
0x8e: {  	[sflag:s24] =	ssyncset.done $0x0  }
0x8f: {  	s15 =	rddreg [dreg:$0x8];
	[sflag:s24] =	ssyncadd.s32 $0xFFFFC000  }
0x90: {  	[hbm4b:s15+s5] =	stream.linear.scatter [tilespmem:s23], [sflag:$0x2], $0x4000, $0x38;
	[tilespmem:$0x18680] =	vst v63  }
0x91: {  	_ =	swait.ge [sflag:s24], $0x4000  }
0x92: {  	[sflag:s24] =	ssyncset.done $0x0  }
0x93: {  	[sflag:s24] =	ssyncadd.s32 $0xFFFFC000  }
0x94: {  	[tilespmem:s23], [sflag:$0x2] =	stream.linear.gather [spmem:s9], $0x4000, $0x38;
	[tilespmem:$0x18680] =	vst v63  }
0x95: {  	_ =	swait.ge [sflag:s24], $0x4000  }
0x96: {  	[sflag:s24] =	ssyncset.done $0x0  }
0x97: {  	[sflag:s24] =	ssyncadd.s32 $0xFFFFC000  }
0x98: {  	[hbm4b:s16+s5] =	stream.linear.scatter [tilespmem:s23], [sflag:$0x2], $0x4000, $0x38;
	[tilespmem:$0x18680] =	vst v63  }
0x99: {  	_ =	swait.ge [sflag:s24], $0x4000  }
0x9a: {  	[sflag:s24] =	ssyncset.done $0x0  }
0x9b: {  	[sflag:s24] =	ssyncadd.s32 $0xFFFFC000  }
0x9c: {  	[tilespmem:s23], [sflag:$0x2] =	stream.linear.gather [spmem:s10], $0x4000, $0x38;
	[tilespmem:$0x18680] =	vst v63  }
0x9d: {  	_ =	swait.ge [sflag:s24], $0x4000  }
0x9e: {  	[sflag:s24] =	ssyncset.done $0x0  }
0x9f: {  	[sflag:s24] =	ssyncadd.s32 $0xFFFFC000  }
0xa0: {  	[hbm4b:s17+s5] =	stream.linear.scatter [tilespmem:s23], [sflag:$0x2], $0x4000, $0x38;
	[tilespmem:$0x18680] =	vst v63  }
0xa1: {  	_ =	swait.ge [sflag:s24], $0x4000  }
0xa2: {  	[sflag:s24] =	ssyncset.done $0x0  }
0xa3: {  	[sflag:s24] =	ssyncadd.s32 $0xFFFFC000  }
0xa4: {  	[tilespmem:s23], [sflag:$0x2] =	stream.linear.gather [spmem:s11], $0x4000, $0x38;
	[tilespmem:$0x18680] =	vst v63  }
0xa5: {  	_ =	swait.ge [sflag:s24], $0x4000  }
0xa6: {  	[sflag:s24] =	ssyncset.done $0x0  }
0xa7: {  	[sflag:s24] =	ssyncadd.s32 $0xFFFFC000  }
0xa8: {  	[hbm4b:s18+s5] =	stream.linear.scatter [tilespmem:s23], [sflag:$0x2], $0x4000, $0x38;
	[tilespmem:$0x18680] =	vst v63  }
0xa9: {  	_ =	swait.ge [sflag:s24], $0x4000  }
0xaa: {  	[sflag:s24] =	ssyncset.done $0x0  }
0xab: {  	[sflag:s24] =	ssyncadd.s32 $0xFFFFC000  }
0xac: {  	[tilespmem:s25], [sflag:$0x2] =	stream.linear.gather [spmem:s13], $0x280, $0x38;
	[tilespmem:$0x18680] =	vst v63  }
0xad: {  	s0 =	sadd.s32 $0x1, s0;
	_ =	swait.ge [sflag:s24], $0x280  }
0xae: {  	p0 =	sne.s32 s0, s20;
	[sflag:s24] =	ssyncset.done $0x0  }
.Ltmp1:
0xaf: {  	[sflag:s24] =	ssyncadd.s32 $0xFFFFFD80;
	(pc) =	sbr.rel @p0 .LBB2_1-.Ltmp1, $4  }
0xb0: {  	[hbm4b:s19+s5] =	stream.linear.scatter [tilespmem:s25], [sflag:$0x2], $0x280, $0x38;
	[tilespmem:$0x18680] =	vst v63  }
0xb1: {  	_ =	swait.ge [sflag:s24], $0x280  }
0xb2: {  	[sflag:s24] =	ssyncset.done $0x0  }
0xb3: {  	[sflag:s24] =	ssyncadd.s32 $0xFFFFFD80  }
0xb4: {  	_ =	sfence.sel $0x180000  }
0xb5: {  	[bflag:$0x0] =	sbarrier.arrive $0xFFFF  }
0xb6: {  	_ =	strace $0x9000004A  }
0xb7: {  	s0 =	stileid.u32;
	[bflag:$0x2] =	sbarrier.arrive $0xFFFF  }
0xb8: {  	p0 =	sne.s32 s0, $0x0;
	s0 =	rddreg [dreg:$0x4]  }
0xb9: {  	s0 =	sadd.s32 @!p0 $0x100000, s0  }
0xba: {  	[sflag:s0] =	ssyncadd.tile.s32 @!p0 $0x1;
	_ =	shalt  }
.Lfunc_end2:
_tile_overlayer_lowered:
.L_overlay_start_2:
0xbb: {  	(tag) =	ssettag $0x2  }
0xbc: {  	s0 =	rddreg [dreg:$0x0];
	s2 =	stileid.u32  }
0xbd: {  	s1 =	rddreg [dreg:$0x1];
	p0 =	sne.s32 s2, $0x0  }
0xbe: {  	s3 =	rddreg [dreg:$0x2];
	[bflag:$0x3] =	sbarrier.arrive $0xFFFF;
	s2 =	simm.s32 @!p0 $0x1C02  }
0xbf: {  	[timem:s3], [sflag:s2] =	dma.local @!p0 [hbm:s0], s1  }
0xc0: {  	s0 =	simm.s32 @!p0 $0x2  }
0xc1: {  	_ =	swait.ge @!p0 [sflag:s0], s1  }
0xc2: {  	s1 =	ssub.s32 @!p0 $0x0, s1;
	[sflag:s0] =	ssyncset.done @!p0 $0x0  }
0xc3: {  	[sflag:s0] =	ssyncadd.s32 @!p0 s1  }
0xc4: {  	[bflag:$0x3] =	sbarrier.arrive $0xFFFF  }
0xc5: {  	_ =	shalt  }

</sc_bundles>
